<compile_context>
chip_gen: v7x
topology: tpu7x:2x2x1
jax: 0.10.2.dev20260603
libtpu: 0.0.44.dev20260713+nightly
codegen_flags: <defaults>
</compile_context>

<pallas_src>
import functools

import jax
import jax.numpy as jnp
from jax import lax
from jax.experimental import pallas as pl
from jax.experimental.pallas import tpu as pltpu
from jax.experimental.pallas import tpu_sc as plsc

_ROWS = 16384
_COLS = 4096
_OFFSET = 7
_NOUT = 64
_TOTAL = _ROWS * _NOUT
_NC = 2
_NS = 16
_NW = _NC * _NS
_PER_W = _TOTAL // _NW
_NCHUNK = 16
_CHUNK = _PER_W // _NCHUNK

_mesh = plsc.VectorSubcoreMesh(core_axis_name="c", subcore_axis_name="s")


@functools.partial(
    pl.kernel,
    out_type=jax.ShapeDtypeStruct((_TOTAL,), jnp.float32),
    mesh=_mesh,
    scratch_types=[
        pltpu.VMEM((_PER_W,), jnp.int32),
        pltpu.VMEM((_PER_W,), jnp.float32),
        pltpu.SemaphoreType.DMA((_NCHUNK,)),
        pltpu.SemaphoreType.DMA,
    ],
    compiler_params=pltpu.CompilerParams(use_tc_tiling_on_sc=False),
)
def _gather_col(x_hbm, out_hbm, idx_v, vals_v, sems, wsem):
    wid = lax.axis_index("s") * _NC + lax.axis_index("c")
    qbase = wid * _PER_W
    lane = lax.iota(jnp.int32, 16)
    pattern = (
        jnp.where(lane >= 8, 32768, 0) + (lane & 7) * 128 + _OFFSET
    )

    copies = []
    for j in range(_NCHUNK):
        cstart = j * _CHUNK

        def body(g, carry, cstart=cstart):
            qb = qbase + cstart + g * 16
            ii = (qb >> 7) & 7
            rt = (qb >> 10) & 127
            it = (qb >> 17) & 7
            s = (
                rt * 524288
                + ((qb >> 3) & 15) * 32768
                + it * 4096
                + (ii >> 1) * 1024
                + (ii & 1) * 64
            )
            idx_v[pl.ds(cstart + g * 16, 16)] = pattern + s
            return carry

        lax.fori_loop(0, _CHUNK // 16, body, 0)
        copies.append(
            pltpu.async_copy(
                x_hbm.at[idx_v.at[pl.ds(cstart, _CHUNK)]],
                vals_v.at[pl.ds(cstart, _CHUNK)],
                sems.at[j],
            )
        )
    writes = []
    for j, c in enumerate(copies):
        c.wait()
        writes.append(
            pltpu.async_copy(
                vals_v.at[pl.ds(j * _CHUNK, _CHUNK)],
                out_hbm.at[pl.ds(qbase + j * _CHUNK, _CHUNK)],
                wsem,
            )
        )
    for w in writes:
        w.wait()


def kernel(x):
    y = x.reshape(2048, 8, _COLS // 128, 128).transpose(0, 2, 1, 3)
    out = _gather_col(y.reshape(_ROWS * _COLS))
    return (
        out.reshape(_NOUT // 8, _ROWS // 128, 8, 128)
        .transpose(1, 3, 0, 2)
        .reshape(_ROWS, _NOUT)
    )

# --- scband reference (transcript-rebuilt; emitter-appended) ---
"""Pipeline reference for scband-index-layer-39470749450297 (READ-ONLY COPY).

The authoritative reference and input builder live on the scoring server;
editing this copy changes nothing except your own understanding.
"""

import jax, jax.numpy as jnp
import numpy as np

# Fixed indices from init_kwargs: [:, indices] column gather
INDICES = jnp.array([7 + 64 * i for i in range(64)], dtype=jnp.int32)


def setup_inputs(seed: int = 0) -> dict:
    key = jax.random.key(seed)
    x = jax.random.normal(key, (16384, 4096), dtype=jnp.float32)
    return {"x": x}


def reference(x):
    # tf.gather(x, indices, axis=1) -> jnp.take along axis 1
    return jnp.take(x, INDICES, axis=1)

if __name__ == "__main__":
    import jax
    _d = setup_inputs()
    print(jax.jit(kernel)(*tuple(_d.values())))

</pallas_src>

<mosaic_0001>
#map = affine_map<(d0, d1) -> (0)>
module attributes {stable_mosaic.version = 14 : i64} {
  func.func @_gather_col(%arg0: i32, %arg1: i32, %arg2: memref<67108864xf32, #tpu.memory_space<hbm>>, %arg3: memref<1048576xf32, #tpu.memory_space<hbm>>, %arg4: memref<32768xi32, #tpu.memory_space<vmem>>, %arg5: memref<32768xf32, #tpu.memory_space<vmem>>, %arg6: memref<16x!tpu.dma_semaphore, #tpu.memory_space<semaphore_mem>>, %arg7: memref<!tpu.dma_semaphore, #tpu.memory_space<semaphore_mem>>) attributes {dimension_semantics = [#tpu.dimension_semantics<core_parallel>, #tpu.dimension_semantics<subcore_parallel>], iteration_bounds = array<i64: 2, 16>, scalar_prefetch = 0 : i64, scratch_operands = 4 : i64, tpu.core_type = #tpu.core_type<sc_vector_subcore>, window_params = [{transform_indices = #map}, {transform_indices = #map}]} {
    %mul3A = arith.constant 2 : i32
    %mul3A_0 = arith.muli %arg1, %mul3A : i32
    %add3A = arith.addi %mul3A_0, %arg0 : i32
    %mul3A_1 = arith.constant 32768 : i32
    %mul3A_2 = arith.muli %add3A, %mul3A_1 : i32
    %iota3A = tpu.iota {dimensions = array<i32: 0>} : vector<16xi32>
    %ge3A = arith.constant 8 : i32
    %ge3A_3 = vector.broadcast %ge3A : i32 to vector<16xi32>
    %ge3A_4 = arith.cmpi sge, %iota3A, %ge3A_3 : vector<16xi32>
    %jit3A = arith.constant 32768 : i32
    %jit3A_5 = arith.constant 0 : i32
    %broadcast_in_dim3A = vector.broadcast %jit3A : i32 to vector<16xi32>
    %broadcast_in_dim3A_6 = vector.broadcast %jit3A_5 : i32 to vector<16xi32>
    %select_n3A = arith.select %ge3A_4, %broadcast_in_dim3A, %broadcast_in_dim3A_6 : vector<16xi1>, vector<16xi32>
    %and3A = arith.constant 7 : i32
    %and3A_7 = vector.broadcast %and3A : i32 to vector<16xi32>
    %and3A_8 = arith.andi %iota3A, %and3A_7 : vector<16xi32>
    %mul3A_9 = arith.constant 128 : i32
    %mul3A_10 = vector.broadcast %mul3A_9 : i32 to vector<16xi32>
    %mul3A_11 = arith.muli %and3A_8, %mul3A_10 : vector<16xi32>
    %add3A_12 = arith.addi %select_n3A, %mul3A_11 : vector<16xi32>
    %add3A_13 = arith.constant 7 : i32
    %add3A_14 = vector.broadcast %add3A_13 : i32 to vector<16xi32>
    %add3A_15 = arith.addi %add3A_12, %add3A_14 : vector<16xi32>
    %scan3A = arith.constant 0 : i32
    %scan3A_16 = arith.constant 0 : i32
    %scan3A_17 = arith.constant 128 : i32
    %scan3A_18 = arith.addi %scan3A_16, %scan3A_17 : i32
    %scan3A_19 = arith.constant 1 : i32
    scf.for %scan3A_621 = %scan3A_16 to %scan3A_18 step %scan3A_19  : i32 {
      %add3A_622 = arith.constant 0 : i32
      %add3A_623 = arith.addi %mul3A_2, %add3A_622 : i32
      %mul3A_624 = arith.constant 16 : i32
      %mul3A_625 = arith.muli %scan3A_621, %mul3A_624 : i32
      %add3A_626 = arith.addi %add3A_623, %mul3A_625 : i32
      %shift_right_arithmetic3A = arith.constant 7 : i32
      %shift_right_arithmetic3A_627 = arith.shrsi %add3A_626, %shift_right_arithmetic3A : i32
      %and3A_628 = arith.constant 7 : i32
      %and3A_629 = arith.andi %shift_right_arithmetic3A_627, %and3A_628 : i32
      %shift_right_arithmetic3A_630 = arith.constant 10 : i32
      %shift_right_arithmetic3A_631 = arith.shrsi %add3A_626, %shift_right_arithmetic3A_630 : i32
      %and3A_632 = arith.constant 127 : i32
      %and3A_633 = arith.andi %shift_right_arithmetic3A_631, %and3A_632 : i32
      %shift_right_arithmetic3A_634 = arith.constant 17 : i32
      %shift_right_arithmetic3A_635 = arith.shrsi %add3A_626, %shift_right_arithmetic3A_634 : i32
      %and3A_636 = arith.constant 7 : i32
      %and3A_637 = arith.andi %shift_right_arithmetic3A_635, %and3A_636 : i32
      %mul3A_638 = arith.constant 524288 : i32
      %mul3A_639 = arith.muli %and3A_633, %mul3A_638 : i32
      %shift_right_arithmetic3A_640 = arith.constant 3 : i32
      %shift_right_arithmetic3A_641 = arith.shrsi %add3A_626, %shift_right_arithmetic3A_640 : i32
      %and3A_642 = arith.constant 15 : i32
      %and3A_643 = arith.andi %shift_right_arithmetic3A_641, %and3A_642 : i32
      %mul3A_644 = arith.constant 32768 : i32
      %mul3A_645 = arith.muli %and3A_643, %mul3A_644 : i32
      %add3A_646 = arith.addi %mul3A_639, %mul3A_645 : i32
      %mul3A_647 = arith.constant 4096 : i32
      %mul3A_648 = arith.muli %and3A_637, %mul3A_647 : i32
      %add3A_649 = arith.addi %add3A_646, %mul3A_648 : i32
      %shift_right_arithmetic3A_650 = arith.constant 1 : i32
      %shift_right_arithmetic3A_651 = arith.shrsi %and3A_629, %shift_right_arithmetic3A_650 : i32
      %mul3A_652 = arith.constant 1024 : i32
      %mul3A_653 = arith.muli %shift_right_arithmetic3A_651, %mul3A_652 : i32
      %add3A_654 = arith.addi %add3A_649, %mul3A_653 : i32
      %and3A_655 = arith.constant 1 : i32
      %and3A_656 = arith.andi %and3A_629, %and3A_655 : i32
      %mul3A_657 = arith.constant 64 : i32
      %mul3A_658 = arith.muli %and3A_656, %mul3A_657 : i32
      %add3A_659 = arith.addi %add3A_654, %mul3A_658 : i32
      %add3A_660 = vector.broadcast %add3A_659 : i32 to vector<16xi32>
      %add3A_661 = arith.addi %add3A_15, %add3A_660 : vector<16xi32>
      %mul3A_662 = arith.constant 16 : i32
      %mul3A_663 = arith.muli %scan3A_621, %mul3A_662 : i32
      %add3A_664 = arith.constant 0 : i32
      %add3A_665 = arith.addi %add3A_664, %mul3A_663 : i32
      %swap3A = arith.index_cast %add3A_665 : i32 to index
      %swap3A_666 = tpu.vector_load %arg4[%swap3A] {strides = array<i32>} : memref<32768xi32, #tpu.memory_space<vmem>>, vector<16xi32>,
      %swap3A_667 = vector.shape_cast %swap3A_666 : vector<16xi32> to vector<16xi32>
      %swap3A_668 = vector.shape_cast %add3A_661 : vector<16xi32> to vector<16xi32>
      tpu.vector_store %arg4[%swap3A], %swap3A_668 {strides = array<i32>} : memref<32768xi32, #tpu.memory_space<vmem>>, vector<16xi32>,
    }
    %scan3A_20 = arith.constant 128 : i32
    %dma_start3A = arith.constant 0 : i32
    %dma_start3A_21 = arith.constant 0 : i32
    %dma_start3A_22 = tpu.memref_slice %arg5[%dma_start3A_21] : memref<32768xf32, #tpu.memory_space<vmem>> -> memref<2048xf32, #tpu.memory_space<vmem>>
    %dma_start3A_23 = arith.constant 0 : i32
    %dma_start3A_24 = tpu.memref_slice %arg4[%dma_start3A_23] : memref<32768xi32, #tpu.memory_space<vmem>> -> memref<2048xi32, #tpu.memory_space<vmem>>
    %dma_start3A_25 = arith.constant 0 : i32
    %dma_start3A_26 = tpu.memref_slice %arg2[%dma_start3A_25] : memref<67108864xf32, #tpu.memory_space<hbm>> -> memref<67108864xf32, #tpu.memory_space<hbm>>
    %dma_start3A_27 = tpu.memref_slice %arg6[%dma_start3A] : memref<16x!tpu.dma_semaphore, #tpu.memory_space<semaphore_mem>> -> memref<1x!tpu.dma_semaphore, #tpu.memory_space<semaphore_mem>>
    %dma_start3A_28 = tpu.memref_squeeze %dma_start3A_27 : memref<1x!tpu.dma_semaphore, #tpu.memory_space<semaphore_mem>> -> memref<!tpu.dma_semaphore, #tpu.memory_space<semaphore_mem>>
    tpu.enqueue_indirect_dma source(%dma_start3A_26 : memref<67108864xf32, #tpu.memory_space<hbm>>) target(%dma_start3A_22 : memref<2048xf32, #tpu.memory_space<vmem>>) offsets(%dma_start3A_24 : memref<2048xi32, #tpu.memory_space<vmem>>) semaphore(%dma_start3A_28 : memref<!tpu.dma_semaphore, #tpu.memory_space<semaphore_mem>>)
    %scan3A_29 = arith.constant 0 : i32
    %scan3A_30 = arith.constant 0 : i32
    %scan3A_31 = arith.constant 128 : i32
    %scan3A_32 = arith.addi %scan3A_30, %scan3A_31 : i32
    %scan3A_33 = arith.constant 1 : i32
    scf.for %scan3A_621 = %scan3A_30 to %scan3A_32 step %scan3A_33  : i32 {
      %add3A_622 = arith.constant 2048 : i32
      %add3A_623 = arith.addi %mul3A_2, %add3A_622 : i32
      %mul3A_624 = arith.constant 16 : i32
      %mul3A_625 = arith.muli %scan3A_621, %mul3A_624 : i32
      %add3A_626 = arith.addi %add3A_623, %mul3A_625 : i32
      %shift_right_arithmetic3A = arith.constant 7 : i32
      %shift_right_arithmetic3A_627 = arith.shrsi %add3A_626, %shift_right_arithmetic3A : i32
      %and3A_628 = arith.constant 7 : i32
      %and3A_629 = arith.andi %shift_right_arithmetic3A_627, %and3A_628 : i32
      %shift_right_arithmetic3A_630 = arith.constant 10 : i32
      %shift_right_arithmetic3A_631 = arith.shrsi %add3A_626, %shift_right_arithmetic3A_630 : i32
      %and3A_632 = arith.constant 127 : i32
      %and3A_633 = arith.andi %shift_right_arithmetic3A_631, %and3A_632 : i32
      %shift_right_arithmetic3A_634 = arith.constant 17 : i32
      %shift_right_arithmetic3A_635 = arith.shrsi %add3A_626, %shift_right_arithmetic3A_634 : i32
      %and3A_636 = arith.constant 7 : i32
      %and3A_637 = arith.andi %shift_right_arithmetic3A_635, %and3A_636 : i32
      %mul3A_638 = arith.constant 524288 : i32
      %mul3A_639 = arith.muli %and3A_633, %mul3A_638 : i32
      %shift_right_arithmetic3A_640 = arith.constant 3 : i32
      %shift_right_arithmetic3A_641 = arith.shrsi %add3A_626, %shift_right_arithmetic3A_640 : i32
      %and3A_642 = arith.constant 15 : i32
      %and3A_643 = arith.andi %shift_right_arithmetic3A_641, %and3A_642 : i32
      %mul3A_644 = arith.constant 32768 : i32
      %mul3A_645 = arith.muli %and3A_643, %mul3A_644 : i32
      %add3A_646 = arith.addi %mul3A_639, %mul3A_645 : i32
      %mul3A_647 = arith.constant 4096 : i32
      %mul3A_648 = arith.muli %and3A_637, %mul3A_647 : i32
      %add3A_649 = arith.addi %add3A_646, %mul3A_648 : i32
      %shift_right_arithmetic3A_650 = arith.constant 1 : i32
      %shift_right_arithmetic3A_651 = arith.shrsi %and3A_629, %shift_right_arithmetic3A_650 : i32
      %mul3A_652 = arith.constant 1024 : i32
      %mul3A_653 = arith.muli %shift_right_arithmetic3A_651, %mul3A_652 : i32
      %add3A_654 = arith.addi %add3A_649, %mul3A_653 : i32
      %and3A_655 = arith.constant 1 : i32
      %and3A_656 = arith.andi %and3A_629, %and3A_655 : i32
      %mul3A_657 = arith.constant 64 : i32
      %mul3A_658 = arith.muli %and3A_656, %mul3A_657 : i32
      %add3A_659 = arith.addi %add3A_654, %mul3A_658 : i32
      %add3A_660 = vector.broadcast %add3A_659 : i32 to vector<16xi32>
      %add3A_661 = arith.addi %add3A_15, %add3A_660 : vector<16xi32>
      %mul3A_662 = arith.constant 16 : i32
      %mul3A_663 = arith.muli %scan3A_621, %mul3A_662 : i32
      %add3A_664 = arith.constant 2048 : i32
      %add3A_665 = arith.addi %add3A_664, %mul3A_663 : i32
      %swap3A = arith.index_cast %add3A_665 : i32 to index
      %swap3A_666 = tpu.vector_load %arg4[%swap3A] {strides = array<i32>} : memref<32768xi32, #tpu.memory_space<vmem>>, vector<16xi32>,
      %swap3A_667 = vector.shape_cast %swap3A_666 : vector<16xi32> to vector<16xi32>
      %swap3A_668 = vector.shape_cast %add3A_661 : vector<16xi32> to vector<16xi32>
      tpu.vector_store %arg4[%swap3A], %swap3A_668 {strides = array<i32>} : memref<32768xi32, #tpu.memory_space<vmem>>, vector<16xi32>,
    }
    %scan3A_34 = arith.constant 128 : i32
    %dma_start3A_35 = arith.constant 1 : i32
    %dma_start3A_36 = arith.constant 2048 : i32
    %dma_start3A_37 = tpu.memref_slice %arg5[%dma_start3A_36] : memref<32768xf32, #tpu.memory_space<vmem>> -> memref<2048xf32, #tpu.memory_space<vmem>>
    %dma_start3A_38 = arith.constant 2048 : i32
    %dma_start3A_39 = tpu.memref_slice %arg4[%dma_start3A_38] : memref<32768xi32, #tpu.memory_space<vmem>> -> memref<2048xi32, #tpu.memory_space<vmem>>
    %dma_start3A_40 = arith.constant 0 : i32
    %dma_start3A_41 = tpu.memref_slice %arg2[%dma_start3A_40] : memref<67108864xf32, #tpu.memory_space<hbm>> -> memref<67108864xf32, #tpu.memory_space<hbm>>
    %dma_start3A_42 = tpu.memref_slice %arg6[%dma_start3A_35] : memref<16x!tpu.dma_semaphore, #tpu.memory_space<semaphore_mem>> -> memref<1x!tpu.dma_semaphore, #tpu.memory_space<semaphore_mem>>
    %dma_start3A_43 = tpu.memref_squeeze %dma_start3A_42 : memref<1x!tpu.dma_semaphore, #tpu.memory_space<semaphore_mem>> -> memref<!tpu.dma_semaphore, #tpu.memory_space<semaphore_mem>>
    tpu.enqueue_indirect_dma source(%dma_start3A_41 : memref<67108864xf32, #tpu.memory_space<hbm>>) target(%dma_start3A_37 : memref<2048xf32, #tpu.memory_space<vmem>>) offsets(%dma_start3A_39 : memref<2048xi32, #tpu.memory_space<vmem>>) semaphore(%dma_start3A_43 : memref<!tpu.dma_semaphore, #tpu.memory_space<semaphore_mem>>)
    %scan3A_44 = arith.constant 0 : i32
    %scan3A_45 = arith.constant 0 : i32
    %scan3A_46 = arith.constant 128 : i32
    %scan3A_47 = arith.addi %scan3A_45, %scan3A_46 : i32
    %scan3A_48 = arith.constant 1 : i32
    scf.for %scan3A_621 = %scan3A_45 to %scan3A_47 step %scan3A_48  : i32 {
      %add3A_622 = arith.constant 4096 : i32
      %add3A_623 = arith.addi %mul3A_2, %add3A_622 : i32
      %mul3A_624 = arith.constant 16 : i32
      %mul3A_625 = arith.muli %scan3A_621, %mul3A_624 : i32
      %add3A_626 = arith.addi %add3A_623, %mul3A_625 : i32
      %shift_right_arithmetic3A = arith.constant 7 : i32
      %shift_right_arithmetic3A_627 = arith.shrsi %add3A_626, %shift_right_arithmetic3A : i32
      %and3A_628 = arith.constant 7 : i32
      %and3A_629 = arith.andi %shift_right_arithmetic3A_627, %and3A_628 : i32
      %shift_right_arithmetic3A_630 = arith.constant 10 : i32
      %shift_right_arithmetic3A_631 = arith.shrsi %add3A_626, %shift_right_arithmetic3A_630 : i32
      %and3A_632 = arith.constant 127 : i32
      %and3A_633 = arith.andi %shift_right_arithmetic3A_631, %and3A_632 : i32
      %shift_right_arithmetic3A_634 = arith.constant 17 : i32
      %shift_right_arithmetic3A_635 = arith.shrsi %add3A_626, %shift_right_arithmetic3A_634 : i32
      %and3A_636 = arith.constant 7 : i32
      %and3A_637 = arith.andi %shift_right_arithmetic3A_635, %and3A_636 : i32
      %mul3A_638 = arith.constant 524288 : i32
      %mul3A_639 = arith.muli %and3A_633, %mul3A_638 : i32
      %shift_right_arithmetic3A_640 = arith.constant 3 : i32
      %shift_right_arithmetic3A_641 = arith.shrsi %add3A_626, %shift_right_arithmetic3A_640 : i32
      %and3A_642 = arith.constant 15 : i32
      %and3A_643 = arith.andi %shift_right_arithmetic3A_641, %and3A_642 : i32
      %mul3A_644 = arith.constant 32768 : i32
      %mul3A_645 = arith.muli %and3A_643, %mul3A_644 : i32
      %add3A_646 = arith.addi %mul3A_639, %mul3A_645 : i32
      %mul3A_647 = arith.constant 4096 : i32
      %mul3A_648 = arith.muli %and3A_637, %mul3A_647 : i32
      %add3A_649 = arith.addi %add3A_646, %mul3A_648 : i32
      %shift_right_arithmetic3A_650 = arith.constant 1 : i32
      %shift_right_arithmetic3A_651 = arith.shrsi %and3A_629, %shift_right_arithmetic3A_650 : i32
      %mul3A_652 = arith.constant 1024 : i32
      %mul3A_653 = arith.muli %shift_right_arithmetic3A_651, %mul3A_652 : i32
      %add3A_654 = arith.addi %add3A_649, %mul3A_653 : i32
      %and3A_655 = arith.constant 1 : i32
      %and3A_656 = arith.andi %and3A_629, %and3A_655 : i32
      %mul3A_657 = arith.constant 64 : i32
      %mul3A_658 = arith.muli %and3A_656, %mul3A_657 : i32
      %add3A_659 = arith.addi %add3A_654, %mul3A_658 : i32
      %add3A_660 = vector.broadcast %add3A_659 : i32 to vector<16xi32>
      %add3A_661 = arith.addi %add3A_15, %add3A_660 : vector<16xi32>
      %mul3A_662 = arith.constant 16 : i32
      %mul3A_663 = arith.muli %scan3A_621, %mul3A_662 : i32
      %add3A_664 = arith.constant 4096 : i32
      %add3A_665 = arith.addi %add3A_664, %mul3A_663 : i32
      %swap3A = arith.index_cast %add3A_665 : i32 to index
      %swap3A_666 = tpu.vector_load %arg4[%swap3A] {strides = array<i32>} : memref<32768xi32, #tpu.memory_space<vmem>>, vector<16xi32>,
      %swap3A_667 = vector.shape_cast %swap3A_666 : vector<16xi32> to vector<16xi32>
      %swap3A_668 = vector.shape_cast %add3A_661 : vector<16xi32> to vector<16xi32>
      tpu.vector_store %arg4[%swap3A], %swap3A_668 {strides = array<i32>} : memref<32768xi32, #tpu.memory_space<vmem>>, vector<16xi32>,
    }
    %scan3A_49 = arith.constant 128 : i32
    %dma_start3A_50 = arith.constant 2 : i32
    %dma_start3A_51 = arith.constant 4096 : i32
    %dma_start3A_52 = tpu.memref_slice %arg5[%dma_start3A_51] : memref<32768xf32, #tpu.memory_space<vmem>> -> memref<2048xf32, #tpu.memory_space<vmem>>
    %dma_start3A_53 = arith.constant 4096 : i32
    %dma_start3A_54 = tpu.memref_slice %arg4[%dma_start3A_53] : memref<32768xi32, #tpu.memory_space<vmem>> -> memref<2048xi32, #tpu.memory_space<vmem>>
    %dma_start3A_55 = arith.constant 0 : i32
    %dma_start3A_56 = tpu.memref_slice %arg2[%dma_start3A_55] : memref<67108864xf32, #tpu.memory_space<hbm>> -> memref<67108864xf32, #tpu.memory_space<hbm>>
    %dma_start3A_57 = tpu.memref_slice %arg6[%dma_start3A_50] : memref<16x!tpu.dma_semaphore, #tpu.memory_space<semaphore_mem>> -> memref<1x!tpu.dma_semaphore, #tpu.memory_space<semaphore_mem>>
    %dma_start3A_58 = tpu.memref_squeeze %dma_start3A_57 : memref<1x!tpu.dma_semaphore, #tpu.memory_space<semaphore_mem>> -> memref<!tpu.dma_semaphore, #tpu.memory_space<semaphore_mem>>
    tpu.enqueue_indirect_dma source(%dma_start3A_56 : memref<67108864xf32, #tpu.memory_space<hbm>>) target(%dma_start3A_52 : memref<2048xf32, #tpu.memory_space<vmem>>) offsets(%dma_start3A_54 : memref<2048xi32, #tpu.memory_space<vmem>>) semaphore(%dma_start3A_58 : memref<!tpu.dma_semaphore, #tpu.memory_space<semaphore_mem>>)
    %scan3A_59 = arith.constant 0 : i32
    %scan3A_60 = arith.constant 0 : i32
    %scan3A_61 = arith.constant 128 : i32
    %scan3A_62 = arith.addi %scan3A_60, %scan3A_61 : i32
    %scan3A_63 = arith.constant 1 : i32
    scf.for %scan3A_621 = %scan3A_60 to %scan3A_62 step %scan3A_63  : i32 {
      %add3A_622 = arith.constant 6144 : i32
      %add3A_623 = arith.addi %mul3A_2, %add3A_622 : i32
      %mul3A_624 = arith.constant 16 : i32
      %mul3A_625 = arith.muli %scan3A_621, %mul3A_624 : i32
      %add3A_626 = arith.addi %add3A_623, %mul3A_625 : i32
      %shift_right_arithmetic3A = arith.constant 7 : i32
      %shift_right_arithmetic3A_627 = arith.shrsi %add3A_626, %shift_right_arithmetic3A : i32
      %and3A_628 = arith.constant 7 : i32
      %and3A_629 = arith.andi %shift_right_arithmetic3A_627, %and3A_628 : i32
      %shift_right_arithmetic3A_630 = arith.constant 10 : i32
      %shift_right_arithmetic3A_631 = arith.shrsi %add3A_626, %shift_right_arithmetic3A_630 : i32
      %and3A_632 = arith.constant 127 : i32
      %and3A_633 = arith.andi %shift_right_arithmetic3A_631, %and3A_632 : i32
      %shift_right_arithmetic3A_634 = arith.constant 17 : i32
      %shift_right_arithmetic3A_635 = arith.shrsi %add3A_626, %shift_right_arithmetic3A_634 : i32
      %and3A_636 = arith.constant 7 : i32
      %and3A_637 = arith.andi %shift_right_arithmetic3A_635, %and3A_636 : i32
      %mul3A_638 = arith.constant 524288 : i32
      %mul3A_639 = arith.muli %and3A_633, %mul3A_638 : i32
      %shift_right_arithmetic3A_640 = arith.constant 3 : i32
      %shift_right_arithmetic3A_641 = arith.shrsi %add3A_626, %shift_right_arithmetic3A_640 : i32
      %and3A_642 = arith.constant 15 : i32
      %and3A_643 = arith.andi %shift_right_arithmetic3A_641, %and3A_642 : i32
      %mul3A_644 = arith.constant 32768 : i32
      %mul3A_645 = arith.muli %and3A_643, %mul3A_644 : i32
      %add3A_646 = arith.addi %mul3A_639, %mul3A_645 : i32
      %mul3A_647 = arith.constant 4096 : i32
      %mul3A_648 = arith.muli %and3A_637, %mul3A_647 : i32
      %add3A_649 = arith.addi %add3A_646, %mul3A_648 : i32
      %shift_right_arithmetic3A_650 = arith.constant 1 : i32
      %shift_right_arithmetic3A_651 = arith.shrsi %and3A_629, %shift_right_arithmetic3A_650 : i32
      %mul3A_652 = arith.constant 1024 : i32
      %mul3A_653 = arith.muli %shift_right_arithmetic3A_651, %mul3A_652 : i32
      %add3A_654 = arith.addi %add3A_649, %mul3A_653 : i32
      %and3A_655 = arith.constant 1 : i32
      %and3A_656 = arith.andi %and3A_629, %and3A_655 : i32
      %mul3A_657 = arith.constant 64 : i32
      %mul3A_658 = arith.muli %and3A_656, %mul3A_657 : i32
      %add3A_659 = arith.addi %add3A_654, %mul3A_658 : i32
      %add3A_660 = vector.broadcast %add3A_659 : i32 to vector<16xi32>
      %add3A_661 = arith.addi %add3A_15, %add3A_660 : vector<16xi32>
      %mul3A_662 = arith.constant 16 : i32
      %mul3A_663 = arith.muli %scan3A_621, %mul3A_662 : i32
      %add3A_664 = arith.constant 6144 : i32
      %add3A_665 = arith.addi %add3A_664, %mul3A_663 : i32
      %swap3A = arith.index_cast %add3A_665 : i32 to index
      %swap3A_666 = tpu.vector_load %arg4[%swap3A] {strides = array<i32>} : memref<32768xi32, #tpu.memory_space<vmem>>, vector<16xi32>,
      %swap3A_667 = vector.shape_cast %swap3A_666 : vector<16xi32> to vector<16xi32>
      %swap3A_668 = vector.shape_cast %add3A_661 : vector<16xi32> to vector<16xi32>
      tpu.vector_store %arg4[%swap3A], %swap3A_668 {strides = array<i32>} : memref<32768xi32, #tpu.memory_space<vmem>>, vector<16xi32>,
    }
    %scan3A_64 = arith.constant 128 : i32
    %dma_start3A_65 = arith.constant 3 : i32
    %dma_start3A_66 = arith.constant 6144 : i32
    %dma_start3A_67 = tpu.memref_slice %arg5[%dma_start3A_66] : memref<32768xf32, #tpu.memory_space<vmem>> -> memref<2048xf32, #tpu.memory_space<vmem>>
    %dma_start3A_68 = arith.constant 6144 : i32
    %dma_start3A_69 = tpu.memref_slice %arg4[%dma_start3A_68] : memref<32768xi32, #tpu.memory_space<vmem>> -> memref<2048xi32, #tpu.memory_space<vmem>>
    %dma_start3A_70 = arith.constant 0 : i32
    %dma_start3A_71 = tpu.memref_slice %arg2[%dma_start3A_70] : memref<67108864xf32, #tpu.memory_space<hbm>> -> memref<67108864xf32, #tpu.memory_space<hbm>>
    %dma_start3A_72 = tpu.memref_slice %arg6[%dma_start3A_65] : memref<16x!tpu.dma_semaphore, #tpu.memory_space<semaphore_mem>> -> memref<1x!tpu.dma_semaphore, #tpu.memory_space<semaphore_mem>>
    %dma_start3A_73 = tpu.memref_squeeze %dma_start3A_72 : memref<1x!tpu.dma_semaphore, #tpu.memory_space<semaphore_mem>> -> memref<!tpu.dma_semaphore, #tpu.memory_space<semaphore_mem>>
    tpu.enqueue_indirect_dma source(%dma_start3A_71 : memref<67108864xf32, #tpu.memory_space<hbm>>) target(%dma_start3A_67 : memref<2048xf32, #tpu.memory_space<vmem>>) offsets(%dma_start3A_69 : memref<2048xi32, #tpu.memory_space<vmem>>) semaphore(%dma_start3A_73 : memref<!tpu.dma_semaphore, #tpu.memory_space<semaphore_mem>>)
    %scan3A_74 = arith.constant 0 : i32
    %scan3A_75 = arith.constant 0 : i32
    %scan3A_76 = arith.constant 128 : i32
    %scan3A_77 = arith.addi %scan3A_75, %scan3A_76 : i32
    %scan3A_78 = arith.constant 1 : i32
    scf.for %scan3A_621 = %scan3A_75 to %scan3A_77 step %scan3A_78  : i32 {
      %add3A_622 = arith.constant 8192 : i32
      %add3A_623 = arith.addi %mul3A_2, %add3A_622 : i32
      %mul3A_624 = arith.constant 16 : i32
      %mul3A_625 = arith.muli %scan3A_621, %mul3A_624 : i32
      %add3A_626 = arith.addi %add3A_623, %mul3A_625 : i32
      %shift_right_arithmetic3A = arith.constant 7 : i32
      %shift_right_arithmetic3A_627 = arith.shrsi %add3A_626, %shift_right_arithmetic3A : i32
      %and3A_628 = arith.constant 7 : i32
      %and3A_629 = arith.andi %shift_right_arithmetic3A_627, %and3A_628 : i32
      %shift_right_arithmetic3A_630 = arith.constant 10 : i32
      %shift_right_arithmetic3A_631 = arith.shrsi %add3A_626, %shift_right_arithmetic3A_630 : i32
      %and3A_632 = arith.constant 127 : i32
      %and3A_633 = arith.andi %shift_right_arithmetic3A_631, %and3A_632 : i32
      %shift_right_arithmetic3A_634 = arith.constant 17 : i32
      %shift_right_arithmetic3A_635 = arith.shrsi %add3A_626, %shift_right_arithmetic3A_634 : i32
      %and3A_636 = arith.constant 7 : i32
      %and3A_637 = arith.andi %shift_right_arithmetic3A_635, %and3A_636 : i32
      %mul3A_638 = arith.constant 524288 : i32
      %mul3A_639 = arith.muli %and3A_633, %mul3A_638 : i32
      %shift_right_arithmetic3A_640 = arith.constant 3 : i32
      %shift_right_arithmetic3A_641 = arith.shrsi %add3A_626, %shift_right_arithmetic3A_640 : i32
      %and3A_642 = arith.constant 15 : i32
      %and3A_643 = arith.andi %shift_right_arithmetic3A_641, %and3A_642 : i32
      %mul3A_644 = arith.constant 32768 : i32
      %mul3A_645 = arith.muli %and3A_643, %mul3A_644 : i32
      %add3A_646 = arith.addi %mul3A_639, %mul3A_645 : i32
      %mul3A_647 = arith.constant 4096 : i32
      %mul3A_648 = arith.muli %and3A_637, %mul3A_647 : i32
      %add3A_649 = arith.addi %add3A_646, %mul3A_648 : i32
      %shift_right_arithmetic3A_650 = arith.constant 1 : i32
      %shift_right_arithmetic3A_651 = arith.shrsi %and3A_629, %shift_right_arithmetic3A_650 : i32
      %mul3A_652 = arith.constant 1024 : i32
      %mul3A_653 = arith.muli %shift_right_arithmetic3A_651, %mul3A_652 : i32
      %add3A_654 = arith.addi %add3A_649, %mul3A_653 : i32
      %and3A_655 = arith.constant 1 : i32
      %and3A_656 = arith.andi %and3A_629, %and3A_655 : i32
      %mul3A_657 = arith.constant 64 : i32
      %mul3A_658 = arith.muli %and3A_656, %mul3A_657 : i32
      %add3A_659 = arith.addi %add3A_654, %mul3A_658 : i32
      %add3A_660 = vector.broadcast %add3A_659 : i32 to vector<16xi32>
      %add3A_661 = arith.addi %add3A_15, %add3A_660 : vector<16xi32>
      %mul3A_662 = arith.constant 16 : i32
      %mul3A_663 = arith.muli %scan3A_621, %mul3A_662 : i32
      %add3A_664 = arith.constant 8192 : i32
      %add3A_665 = arith.addi %add3A_664, %mul3A_663 : i32
      %swap3A = arith.index_cast %add3A_665 : i32 to index
      %swap3A_666 = tpu.vector_load %arg4[%swap3A] {strides = array<i32>} : memref<32768xi32, #tpu.memory_space<vmem>>, vector<16xi32>,
      %swap3A_667 = vector.shape_cast %swap3A_666 : vector<16xi32> to vector<16xi32>
      %swap3A_668 = vector.shape_cast %add3A_661 : vector<16xi32> to vector<16xi32>
      tpu.vector_store %arg4[%swap3A], %swap3A_668 {strides = array<i32>} : memref<32768xi32, #tpu.memory_space<vmem>>, vector<16xi32>,
    }
    %scan3A_79 = arith.constant 128 : i32
    %dma_start3A_80 = arith.constant 4 : i32
    %dma_start3A_81 = arith.constant 8192 : i32
    %dma_start3A_82 = tpu.memref_slice %arg5[%dma_start3A_81] : memref<32768xf32, #tpu.memory_space<vmem>> -> memref<2048xf32, #tpu.memory_space<vmem>>
    %dma_start3A_83 = arith.constant 8192 : i32
    %dma_start3A_84 = tpu.memref_slice %arg4[%dma_start3A_83] : memref<32768xi32, #tpu.memory_space<vmem>> -> memref<2048xi32, #tpu.memory_space<vmem>>
    %dma_start3A_85 = arith.constant 0 : i32
    %dma_start3A_86 = tpu.memref_slice %arg2[%dma_start3A_85] : memref<67108864xf32, #tpu.memory_space<hbm>> -> memref<67108864xf32, #tpu.memory_space<hbm>>
    %dma_start3A_87 = tpu.memref_slice %arg6[%dma_start3A_80] : memref<16x!tpu.dma_semaphore, #tpu.memory_space<semaphore_mem>> -> memref<1x!tpu.dma_semaphore, #tpu.memory_space<semaphore_mem>>
    %dma_start3A_88 = tpu.memref_squeeze %dma_start3A_87 : memref<1x!tpu.dma_semaphore, #tpu.memory_space<semaphore_mem>> -> memref<!tpu.dma_semaphore, #tpu.memory_space<semaphore_mem>>
    tpu.enqueue_indirect_dma source(%dma_start3A_86 : memref<67108864xf32, #tpu.memory_space<hbm>>) target(%dma_start3A_82 : memref<2048xf32, #tpu.memory_space<vmem>>) offsets(%dma_start3A_84 : memref<2048xi32, #tpu.memory_space<vmem>>) semaphore(%dma_start3A_88 : memref<!tpu.dma_semaphore, #tpu.memory_space<semaphore_mem>>)
    %scan3A_89 = arith.constant 0 : i32
    %scan3A_90 = arith.constant 0 : i32
    %scan3A_91 = arith.constant 128 : i32
    %scan3A_92 = arith.addi %scan3A_90, %scan3A_91 : i32
    %scan3A_93 = arith.constant 1 : i32
    scf.for %scan3A_621 = %scan3A_90 to %scan3A_92 step %scan3A_93  : i32 {
      %add3A_622 = arith.constant 10240 : i32
      %add3A_623 = arith.addi %mul3A_2, %add3A_622 : i32
      %mul3A_624 = arith.constant 16 : i32
      %mul3A_625 = arith.muli %scan3A_621, %mul3A_624 : i32
      %add3A_626 = arith.addi %add3A_623, %mul3A_625 : i32
      %shift_right_arithmetic3A = arith.constant 7 : i32
      %shift_right_arithmetic3A_627 = arith.shrsi %add3A_626, %shift_right_arithmetic3A : i32
      %and3A_628 = arith.constant 7 : i32
      %and3A_629 = arith.andi %shift_right_arithmetic3A_627, %and3A_628 : i32
      %shift_right_arithmetic3A_630 = arith.constant 10 : i32
      %shift_right_arithmetic3A_631 = arith.shrsi %add3A_626, %shift_right_arithmetic3A_630 : i32
      %and3A_632 = arith.constant 127 : i32
      %and3A_633 = arith.andi %shift_right_arithmetic3A_631, %and3A_632 : i32
      %shift_right_arithmetic3A_634 = arith.constant 17 : i32
      %shift_right_arithmetic3A_635 = arith.shrsi %add3A_626, %shift_right_arithmetic3A_634 : i32
      %and3A_636 = arith.constant 7 : i32
      %and3A_637 = arith.andi %shift_right_arithmetic3A_635, %and3A_636 : i32
      %mul3A_638 = arith.constant 524288 : i32
      %mul3A_639 = arith.muli %and3A_633, %mul3A_638 : i32
      %shift_right_arithmetic3A_640 = arith.constant 3 : i32
      %shift_right_arithmetic3A_641 = arith.shrsi %add3A_626, %shift_right_arithmetic3A_640 : i32
      %and3A_642 = arith.constant 15 : i32
      %and3A_643 = arith.andi %shift_right_arithmetic3A_641, %and3A_642 : i32
      %mul3A_644 = arith.constant 32768 : i32
      %mul3A_645 = arith.muli %and3A_643, %mul3A_644 : i32
      %add3A_646 = arith.addi %mul3A_639, %mul3A_645 : i32
      %mul3A_647 = arith.constant 4096 : i32
      %mul3A_648 = arith.muli %and3A_637, %mul3A_647 : i32
      %add3A_649 = arith.addi %add3A_646, %mul3A_648 : i32
      %shift_right_arithmetic3A_650 = arith.constant 1 : i32
      %shift_right_arithmetic3A_651 = arith.shrsi %and3A_629, %shift_right_arithmetic3A_650 : i32
      %mul3A_652 = arith.constant 1024 : i32
      %mul3A_653 = arith.muli %shift_right_arithmetic3A_651, %mul3A_652 : i32
      %add3A_654 = arith.addi %add3A_649, %mul3A_653 : i32
      %and3A_655 = arith.constant 1 : i32
      %and3A_656 = arith.andi %and3A_629, %and3A_655 : i32
      %mul3A_657 = arith.constant 64 : i32
      %mul3A_658 = arith.muli %and3A_656, %mul3A_657 : i32
      %add3A_659 = arith.addi %add3A_654, %mul3A_658 : i32
      %add3A_660 = vector.broadcast %add3A_659 : i32 to vector<16xi32>
      %add3A_661 = arith.addi %add3A_15, %add3A_660 : vector<16xi32>
      %mul3A_662 = arith.constant 16 : i32
      %mul3A_663 = arith.muli %scan3A_621, %mul3A_662 : i32
      %add3A_664 = arith.constant 10240 : i32
      %add3A_665 = arith.addi %add3A_664, %mul3A_663 : i32
      %swap3A = arith.index_cast %add3A_665 : i32 to index
      %swap3A_666 = tpu.vector_load %arg4[%swap3A] {strides = array<i32>} : memref<32768xi32, #tpu.memory_space<vmem>>, vector<16xi32>,
      %swap3A_667 = vector.shape_cast %swap3A_666 : vector<16xi32> to vector<16xi32>
      %swap3A_668 = vector.shape_cast %add3A_661 : vector<16xi32> to vector<16xi32>
      tpu.vector_store %arg4[%swap3A], %swap3A_668 {strides = array<i32>} : memref<32768xi32, #tpu.memory_space<vmem>>, vector<16xi32>,
    }
    %scan3A_94 = arith.constant 128 : i32
    %dma_start3A_95 = arith.constant 5 : i32
    %dma_start3A_96 = arith.constant 10240 : i32
    %dma_start3A_97 = tpu.memref_slice %arg5[%dma_start3A_96] : memref<32768xf32, #tpu.memory_space<vmem>> -> memref<2048xf32, #tpu.memory_space<vmem>>
    %dma_start3A_98 = arith.constant 10240 : i32
    %dma_start3A_99 = tpu.memref_slice %arg4[%dma_start3A_98] : memref<32768xi32, #tpu.memory_space<vmem>> -> memref<2048xi32, #tpu.memory_space<vmem>>
    %dma_start3A_100 = arith.constant 0 : i32
    %dma_start3A_101 = tpu.memref_slice %arg2[%dma_start3A_100] : memref<67108864xf32, #tpu.memory_space<hbm>> -> memref<67108864xf32, #tpu.memory_space<hbm>>
    %dma_start3A_102 = tpu.memref_slice %arg6[%dma_start3A_95] : memref<16x!tpu.dma_semaphore, #tpu.memory_space<semaphore_mem>> -> memref<1x!tpu.dma_semaphore, #tpu.memory_space<semaphore_mem>>
    %dma_start3A_103 = tpu.memref_squeeze %dma_start3A_102 : memref<1x!tpu.dma_semaphore, #tpu.memory_space<semaphore_mem>> -> memref<!tpu.dma_semaphore, #tpu.memory_space<semaphore_mem>>
    tpu.enqueue_indirect_dma source(%dma_start3A_101 : memref<67108864xf32, #tpu.memory_space<hbm>>) target(%dma_start3A_97 : memref<2048xf32, #tpu.memory_space<vmem>>) offsets(%dma_start3A_99 : memref<2048xi32, #tpu.memory_space<vmem>>) semaphore(%dma_start3A_103 : memref<!tpu.dma_semaphore, #tpu.memory_space<semaphore_mem>>)
    %scan3A_104 = arith.constant 0 : i32
    %scan3A_105 = arith.constant 0 : i32
    %scan3A_106 = arith.constant 128 : i32
    %scan3A_107 = arith.addi %scan3A_105, %scan3A_106 : i32
    %scan3A_108 = arith.constant 1 : i32
    scf.for %scan3A_621 = %scan3A_105 to %scan3A_107 step %scan3A_108  : i32 {
      %add3A_622 = arith.constant 12288 : i32
      %add3A_623 = arith.addi %mul3A_2, %add3A_622 : i32
      %mul3A_624 = arith.constant 16 : i32
      %mul3A_625 = arith.muli %scan3A_621, %mul3A_624 : i32
      %add3A_626 = arith.addi %add3A_623, %mul3A_625 : i32
      %shift_right_arithmetic3A = arith.constant 7 : i32
      %shift_right_arithmetic3A_627 = arith.shrsi %add3A_626, %shift_right_arithmetic3A : i32
      %and3A_628 = arith.constant 7 : i32
      %and3A_629 = arith.andi %shift_right_arithmetic3A_627, %and3A_628 : i32
      %shift_right_arithmetic3A_630 = arith.constant 10 : i32
      %shift_right_arithmetic3A_631 = arith.shrsi %add3A_626, %shift_right_arithmetic3A_630 : i32
      %and3A_632 = arith.constant 127 : i32
      %and3A_633 = arith.andi %shift_right_arithmetic3A_631, %and3A_632 : i32
      %shift_right_arithmetic3A_634 = arith.constant 17 : i32
      %shift_right_arithmetic3A_635 = arith.shrsi %add3A_626, %shift_right_arithmetic3A_634 : i32
      %and3A_636 = arith.constant 7 : i32
      %and3A_637 = arith.andi %shift_right_arithmetic3A_635, %and3A_636 : i32
      %mul3A_638 = arith.constant 524288 : i32
      %mul3A_639 = arith.muli %and3A_633, %mul3A_638 : i32
      %shift_right_arithmetic3A_640 = arith.constant 3 : i32
      %shift_right_arithmetic3A_641 = arith.shrsi %add3A_626, %shift_right_arithmetic3A_640 : i32
      %and3A_642 = arith.constant 15 : i32
      %and3A_643 = arith.andi %shift_right_arithmetic3A_641, %and3A_642 : i32
      %mul3A_644 = arith.constant 32768 : i32
      %mul3A_645 = arith.muli %and3A_643, %mul3A_644 : i32
      %add3A_646 = arith.addi %mul3A_639, %mul3A_645 : i32
      %mul3A_647 = arith.constant 4096 : i32
      %mul3A_648 = arith.muli %and3A_637, %mul3A_647 : i32
      %add3A_649 = arith.addi %add3A_646, %mul3A_648 : i32
      %shift_right_arithmetic3A_650 = arith.constant 1 : i32
      %shift_right_arithmetic3A_651 = arith.shrsi %and3A_629, %shift_right_arithmetic3A_650 : i32
      %mul3A_652 = arith.constant 1024 : i32
      %mul3A_653 = arith.muli %shift_right_arithmetic3A_651, %mul3A_652 : i32
      %add3A_654 = arith.addi %add3A_649, %mul3A_653 : i32
      %and3A_655 = arith.constant 1 : i32
      %and3A_656 = arith.andi %and3A_629, %and3A_655 : i32
      %mul3A_657 = arith.constant 64 : i32
      %mul3A_658 = arith.muli %and3A_656, %mul3A_657 : i32
      %add3A_659 = arith.addi %add3A_654, %mul3A_658 : i32
      %add3A_660 = vector.broadcast %add3A_659 : i32 to vector<16xi32>
      %add3A_661 = arith.addi %add3A_15, %add3A_660 : vector<16xi32>
      %mul3A_662 = arith.constant 16 : i32
      %mul3A_663 = arith.muli %scan3A_621, %mul3A_662 : i32
      %add3A_664 = arith.constant 12288 : i32
      %add3A_665 = arith.addi %add3A_664, %mul3A_663 : i32
      %swap3A = arith.index_cast %add3A_665 : i32 to index
      %swap3A_666 = tpu.vector_load %arg4[%swap3A] {strides = array<i32>} : memref<32768xi32, #tpu.memory_space<vmem>>, vector<16xi32>,
      %swap3A_667 = vector.shape_cast %swap3A_666 : vector<16xi32> to vector<16xi32>
      %swap3A_668 = vector.shape_cast %add3A_661 : vector<16xi32> to vector<16xi32>
      tpu.vector_store %arg4[%swap3A], %swap3A_668 {strides = array<i32>} : memref<32768xi32, #tpu.memory_space<vmem>>, vector<16xi32>,
    }
    %scan3A_109 = arith.constant 128 : i32
    %dma_start3A_110 = arith.constant 6 : i32
    %dma_start3A_111 = arith.constant 12288 : i32
    %dma_start3A_112 = tpu.memref_slice %arg5[%dma_start3A_111] : memref<32768xf32, #tpu.memory_space<vmem>> -> memref<2048xf32, #tpu.memory_space<vmem>>
    %dma_start3A_113 = arith.constant 12288 : i32
    %dma_start3A_114 = tpu.memref_slice %arg4[%dma_start3A_113] : memref<32768xi32, #tpu.memory_space<vmem>> -> memref<2048xi32, #tpu.memory_space<vmem>>
    %dma_start3A_115 = arith.constant 0 : i32
    %dma_start3A_116 = tpu.memref_slice %arg2[%dma_start3A_115] : memref<67108864xf32, #tpu.memory_space<hbm>> -> memref<67108864xf32, #tpu.memory_space<hbm>>
    %dma_start3A_117 = tpu.memref_slice %arg6[%dma_start3A_110] : memref<16x!tpu.dma_semaphore, #tpu.memory_space<semaphore_mem>> -> memref<1x!tpu.dma_semaphore, #tpu.memory_space<semaphore_mem>>
    %dma_start3A_118 = tpu.memref_squeeze %dma_start3A_117 : memref<1x!tpu.dma_semaphore, #tpu.memory_space<semaphore_mem>> -> memref<!tpu.dma_semaphore, #tpu.memory_space<semaphore_mem>>
    tpu.enqueue_indirect_dma source(%dma_start3A_116 : memref<67108864xf32, #tpu.memory_space<hbm>>) target(%dma_start3A_112 : memref<2048xf32, #tpu.memory_space<vmem>>) offsets(%dma_start3A_114 : memref<2048xi32, #tpu.memory_space<vmem>>) semaphore(%dma_start3A_118 : memref<!tpu.dma_semaphore, #tpu.memory_space<semaphore_mem>>)
    %scan3A_119 = arith.constant 0 : i32
    %scan3A_120 = arith.constant 0 : i32
    %scan3A_121 = arith.constant 128 : i32
    %scan3A_122 = arith.addi %scan3A_120, %scan3A_121 : i32
    %scan3A_123 = arith.constant 1 : i32
    scf.for %scan3A_621 = %scan3A_120 to %scan3A_122 step %scan3A_123  : i32 {
      %add3A_622 = arith.constant 14336 : i32
      %add3A_623 = arith.addi %mul3A_2, %add3A_622 : i32
      %mul3A_624 = arith.constant 16 : i32
      %mul3A_625 = arith.muli %scan3A_621, %mul3A_624 : i32
      %add3A_626 = arith.addi %add3A_623, %mul3A_625 : i32
      %shift_right_arithmetic3A = arith.constant 7 : i32
      %shift_right_arithmetic3A_627 = arith.shrsi %add3A_626, %shift_right_arithmetic3A : i32
      %and3A_628 = arith.constant 7 : i32
      %and3A_629 = arith.andi %shift_right_arithmetic3A_627, %and3A_628 : i32
      %shift_right_arithmetic3A_630 = arith.constant 10 : i32
      %shift_right_arithmetic3A_631 = arith.shrsi %add3A_626, %shift_right_arithmetic3A_630 : i32
      %and3A_632 = arith.constant 127 : i32
      %and3A_633 = arith.andi %shift_right_arithmetic3A_631, %and3A_632 : i32
      %shift_right_arithmetic3A_634 = arith.constant 17 : i32
      %shift_right_arithmetic3A_635 = arith.shrsi %add3A_626, %shift_right_arithmetic3A_634 : i32
      %and3A_636 = arith.constant 7 : i32
      %and3A_637 = arith.andi %shift_right_arithmetic3A_635, %and3A_636 : i32
      %mul3A_638 = arith.constant 524288 : i32
      %mul3A_639 = arith.muli %and3A_633, %mul3A_638 : i32
      %shift_right_arithmetic3A_640 = arith.constant 3 : i32
      %shift_right_arithmetic3A_641 = arith.shrsi %add3A_626, %shift_right_arithmetic3A_640 : i32
      %and3A_642 = arith.constant 15 : i32
      %and3A_643 = arith.andi %shift_right_arithmetic3A_641, %and3A_642 : i32
      %mul3A_644 = arith.constant 32768 : i32
      %mul3A_645 = arith.muli %and3A_643, %mul3A_644 : i32
      %add3A_646 = arith.addi %mul3A_639, %mul3A_645 : i32
      %mul3A_647 = arith.constant 4096 : i32
      %mul3A_648 = arith.muli %and3A_637, %mul3A_647 : i32
      %add3A_649 = arith.addi %add3A_646, %mul3A_648 : i32
      %shift_right_arithmetic3A_650 = arith.constant 1 : i32
      %shift_right_arithmetic3A_651 = arith.shrsi %and3A_629, %shift_right_arithmetic3A_650 : i32
      %mul3A_652 = arith.constant 1024 : i32
      %mul3A_653 = arith.muli %shift_right_arithmetic3A_651, %mul3A_652 : i32
      %add3A_654 = arith.addi %add3A_649, %mul3A_653 : i32
      %and3A_655 = arith.constant 1 : i32
      %and3A_656 = arith.andi %and3A_629, %and3A_655 : i32
      %mul3A_657 = arith.constant 64 : i32
      %mul3A_658 = arith.muli %and3A_656, %mul3A_657 : i32
      %add3A_659 = arith.addi %add3A_654, %mul3A_658 : i32
      %add3A_660 = vector.broadcast %add3A_659 : i32 to vector<16xi32>
      %add3A_661 = arith.addi %add3A_15, %add3A_660 : vector<16xi32>
      %mul3A_662 = arith.constant 16 : i32
      %mul3A_663 = arith.muli %scan3A_621, %mul3A_662 : i32
      %add3A_664 = arith.constant 14336 : i32
      %add3A_665 = arith.addi %add3A_664, %mul3A_663 : i32
      %swap3A = arith.index_cast %add3A_665 : i32 to index
      %swap3A_666 = tpu.vector_load %arg4[%swap3A] {strides = array<i32>} : memref<32768xi32, #tpu.memory_space<vmem>>, vector<16xi32>,
      %swap3A_667 = vector.shape_cast %swap3A_666 : vector<16xi32> to vector<16xi32>
      %swap3A_668 = vector.shape_cast %add3A_661 : vector<16xi32> to vector<16xi32>
      tpu.vector_store %arg4[%swap3A], %swap3A_668 {strides = array<i32>} : memref<32768xi32, #tpu.memory_space<vmem>>, vector<16xi32>,
    }
    %scan3A_124 = arith.constant 128 : i32
    %dma_start3A_125 = arith.constant 7 : i32
    %dma_start3A_126 = arith.constant 14336 : i32
    %dma_start3A_127 = tpu.memref_slice %arg5[%dma_start3A_126] : memref<32768xf32, #tpu.memory_space<vmem>> -> memref<2048xf32, #tpu.memory_space<vmem>>
    %dma_start3A_128 = arith.constant 14336 : i32
    %dma_start3A_129 = tpu.memref_slice %arg4[%dma_start3A_128] : memref<32768xi32, #tpu.memory_space<vmem>> -> memref<2048xi32, #tpu.memory_space<vmem>>
    %dma_start3A_130 = arith.constant 0 : i32
    %dma_start3A_131 = tpu.memref_slice %arg2[%dma_start3A_130] : memref<67108864xf32, #tpu.memory_space<hbm>> -> memref<67108864xf32, #tpu.memory_space<hbm>>
    %dma_start3A_132 = tpu.memref_slice %arg6[%dma_start3A_125] : memref<16x!tpu.dma_semaphore, #tpu.memory_space<semaphore_mem>> -> memref<1x!tpu.dma_semaphore, #tpu.memory_space<semaphore_mem>>
    %dma_start3A_133 = tpu.memref_squeeze %dma_start3A_132 : memref<1x!tpu.dma_semaphore, #tpu.memory_space<semaphore_mem>> -> memref<!tpu.dma_semaphore, #tpu.memory_space<semaphore_mem>>
    tpu.enqueue_indirect_dma source(%dma_start3A_131 : memref<67108864xf32, #tpu.memory_space<hbm>>) target(%dma_start3A_127 : memref<2048xf32, #tpu.memory_space<vmem>>) offsets(%dma_start3A_129 : memref<2048xi32, #tpu.memory_space<vmem>>) semaphore(%dma_start3A_133 : memref<!tpu.dma_semaphore, #tpu.memory_space<semaphore_mem>>)
    %scan3A_134 = arith.constant 0 : i32
    %scan3A_135 = arith.constant 0 : i32
    %scan3A_136 = arith.constant 128 : i32
    %scan3A_137 = arith.addi %scan3A_135, %scan3A_136 : i32
    %scan3A_138 = arith.constant 1 : i32
    scf.for %scan3A_621 = %scan3A_135 to %scan3A_137 step %scan3A_138  : i32 {
      %add3A_622 = arith.constant 16384 : i32
      %add3A_623 = arith.addi %mul3A_2, %add3A_622 : i32
      %mul3A_624 = arith.constant 16 : i32
      %mul3A_625 = arith.muli %scan3A_621, %mul3A_624 : i32
      %add3A_626 = arith.addi %add3A_623, %mul3A_625 : i32
      %shift_right_arithmetic3A = arith.constant 7 : i32
      %shift_right_arithmetic3A_627 = arith.shrsi %add3A_626, %shift_right_arithmetic3A : i32
      %and3A_628 = arith.constant 7 : i32
      %and3A_629 = arith.andi %shift_right_arithmetic3A_627, %and3A_628 : i32
      %shift_right_arithmetic3A_630 = arith.constant 10 : i32
      %shift_right_arithmetic3A_631 = arith.shrsi %add3A_626, %shift_right_arithmetic3A_630 : i32
      %and3A_632 = arith.constant 127 : i32
      %and3A_633 = arith.andi %shift_right_arithmetic3A_631, %and3A_632 : i32
      %shift_right_arithmetic3A_634 = arith.constant 17 : i32
      %shift_right_arithmetic3A_635 = arith.shrsi %add3A_626, %shift_right_arithmetic3A_634 : i32
      %and3A_636 = arith.constant 7 : i32
      %and3A_637 = arith.andi %shift_right_arithmetic3A_635, %and3A_636 : i32
      %mul3A_638 = arith.constant 524288 : i32
      %mul3A_639 = arith.muli %and3A_633, %mul3A_638 : i32
      %shift_right_arithmetic3A_640 = arith.constant 3 : i32
      %shift_right_arithmetic3A_641 = arith.shrsi %add3A_626, %shift_right_arithmetic3A_640 : i32
      %and3A_642 = arith.constant 15 : i32
      %and3A_643 = arith.andi %shift_right_arithmetic3A_641, %and3A_642 : i32
      %mul3A_644 = arith.constant 32768 : i32
      %mul3A_645 = arith.muli %and3A_643, %mul3A_644 : i32
      %add3A_646 = arith.addi %mul3A_639, %mul3A_645 : i32
      %mul3A_647 = arith.constant 4096 : i32
      %mul3A_648 = arith.muli %and3A_637, %mul3A_647 : i32
      %add3A_649 = arith.addi %add3A_646, %mul3A_648 : i32
      %shift_right_arithmetic3A_650 = arith.constant 1 : i32
      %shift_right_arithmetic3A_651 = arith.shrsi %and3A_629, %shift_right_arithmetic3A_650 : i32
      %mul3A_652 = arith.constant 1024 : i32
      %mul3A_653 = arith.muli %shift_right_arithmetic3A_651, %mul3A_652 : i32
      %add3A_654 = arith.addi %add3A_649, %mul3A_653 : i32
      %and3A_655 = arith.constant 1 : i32
      %and3A_656 = arith.andi %and3A_629, %and3A_655 : i32
      %mul3A_657 = arith.constant 64 : i32
      %mul3A_658 = arith.muli %and3A_656, %mul3A_657 : i32
      %add3A_659 = arith.addi %add3A_654, %mul3A_658 : i32
      %add3A_660 = vector.broadcast %add3A_659 : i32 to vector<16xi32>
      %add3A_661 = arith.addi %add3A_15, %add3A_660 : vector<16xi32>
      %mul3A_662 = arith.constant 16 : i32
      %mul3A_663 = arith.muli %scan3A_621, %mul3A_662 : i32
      %add3A_664 = arith.constant 16384 : i32
      %add3A_665 = arith.addi %add3A_664, %mul3A_663 : i32
      %swap3A = arith.index_cast %add3A_665 : i32 to index
      %swap3A_666 = tpu.vector_load %arg4[%swap3A] {strides = array<i32>} : memref<32768xi32, #tpu.memory_space<vmem>>, vector<16xi32>,
      %swap3A_667 = vector.shape_cast %swap3A_666 : vector<16xi32> to vector<16xi32>
      %swap3A_668 = vector.shape_cast %add3A_661 : vector<16xi32> to vector<16xi32>
      tpu.vector_store %arg4[%swap3A], %swap3A_668 {strides = array<i32>} : memref<32768xi32, #tpu.memory_space<vmem>>, vector<16xi32>,
    }
    %scan3A_139 = arith.constant 128 : i32
    %dma_start3A_140 = arith.constant 8 : i32
    %dma_start3A_141 = arith.constant 16384 : i32
    %dma_start3A_142 = tpu.memref_slice %arg5[%dma_start3A_141] : memref<32768xf32, #tpu.memory_space<vmem>> -> memref<2048xf32, #tpu.memory_space<vmem>>
    %dma_start3A_143 = arith.constant 16384 : i32
    %dma_start3A_144 = tpu.memref_slice %arg4[%dma_start3A_143] : memref<32768xi32, #tpu.memory_space<vmem>> -> memref<2048xi32, #tpu.memory_space<vmem>>
    %dma_start3A_145 = arith.constant 0 : i32
    %dma_start3A_146 = tpu.memref_slice %arg2[%dma_start3A_145] : memref<67108864xf32, #tpu.memory_space<hbm>> -> memref<67108864xf32, #tpu.memory_space<hbm>>
    %dma_start3A_147 = tpu.memref_slice %arg6[%dma_start3A_140] : memref<16x!tpu.dma_semaphore, #tpu.memory_space<semaphore_mem>> -> memref<1x!tpu.dma_semaphore, #tpu.memory_space<semaphore_mem>>
    %dma_start3A_148 = tpu.memref_squeeze %dma_start3A_147 : memref<1x!tpu.dma_semaphore, #tpu.memory_space<semaphore_mem>> -> memref<!tpu.dma_semaphore, #tpu.memory_space<semaphore_mem>>
    tpu.enqueue_indirect_dma source(%dma_start3A_146 : memref<67108864xf32, #tpu.memory_space<hbm>>) target(%dma_start3A_142 : memref<2048xf32, #tpu.memory_space<vmem>>) offsets(%dma_start3A_144 : memref<2048xi32, #tpu.memory_space<vmem>>) semaphore(%dma_start3A_148 : memref<!tpu.dma_semaphore, #tpu.memory_space<semaphore_mem>>)
    %scan3A_149 = arith.constant 0 : i32
    %scan3A_150 = arith.constant 0 : i32
    %scan3A_151 = arith.constant 128 : i32
    %scan3A_152 = arith.addi %scan3A_150, %scan3A_151 : i32
    %scan3A_153 = arith.constant 1 : i32
    scf.for %scan3A_621 = %scan3A_150 to %scan3A_152 step %scan3A_153  : i32 {
      %add3A_622 = arith.constant 18432 : i32
      %add3A_623 = arith.addi %mul3A_2, %add3A_622 : i32
      %mul3A_624 = arith.constant 16 : i32
      %mul3A_625 = arith.muli %scan3A_621, %mul3A_624 : i32
      %add3A_626 = arith.addi %add3A_623, %mul3A_625 : i32
      %shift_right_arithmetic3A = arith.constant 7 : i32
      %shift_right_arithmetic3A_627 = arith.shrsi %add3A_626, %shift_right_arithmetic3A : i32
      %and3A_628 = arith.constant 7 : i32
      %and3A_629 = arith.andi %shift_right_arithmetic3A_627, %and3A_628 : i32
      %shift_right_arithmetic3A_630 = arith.constant 10 : i32
      %shift_right_arithmetic3A_631 = arith.shrsi %add3A_626, %shift_right_arithmetic3A_630 : i32
      %and3A_632 = arith.constant 127 : i32
      %and3A_633 = arith.andi %shift_right_arithmetic3A_631, %and3A_632 : i32
      %shift_right_arithmetic3A_634 = arith.constant 17 : i32
      %shift_right_arithmetic3A_635 = arith.shrsi %add3A_626, %shift_right_arithmetic3A_634 : i32
      %and3A_636 = arith.constant 7 : i32
      %and3A_637 = arith.andi %shift_right_arithmetic3A_635, %and3A_636 : i32
      %mul3A_638 = arith.constant 524288 : i32
      %mul3A_639 = arith.muli %and3A_633, %mul3A_638 : i32
      %shift_right_arithmetic3A_640 = arith.constant 3 : i32
      %shift_right_arithmetic3A_641 = arith.shrsi %add3A_626, %shift_right_arithmetic3A_640 : i32
      %and3A_642 = arith.constant 15 : i32
      %and3A_643 = arith.andi %shift_right_arithmetic3A_641, %and3A_642 : i32
      %mul3A_644 = arith.constant 32768 : i32
      %mul3A_645 = arith.muli %and3A_643, %mul3A_644 : i32
      %add3A_646 = arith.addi %mul3A_639, %mul3A_645 : i32
      %mul3A_647 = arith.constant 4096 : i32
      %mul3A_648 = arith.muli %and3A_637, %mul3A_647 : i32
      %add3A_649 = arith.addi %add3A_646, %mul3A_648 : i32
      %shift_right_arithmetic3A_650 = arith.constant 1 : i32
      %shift_right_arithmetic3A_651 = arith.shrsi %and3A_629, %shift_right_arithmetic3A_650 : i32
      %mul3A_652 = arith.constant 1024 : i32
      %mul3A_653 = arith.muli %shift_right_arithmetic3A_651, %mul3A_652 : i32
      %add3A_654 = arith.addi %add3A_649, %mul3A_653 : i32
      %and3A_655 = arith.constant 1 : i32
      %and3A_656 = arith.andi %and3A_629, %and3A_655 : i32
      %mul3A_657 = arith.constant 64 : i32
      %mul3A_658 = arith.muli %and3A_656, %mul3A_657 : i32
      %add3A_659 = arith.addi %add3A_654, %mul3A_658 : i32
      %add3A_660 = vector.broadcast %add3A_659 : i32 to vector<16xi32>
      %add3A_661 = arith.addi %add3A_15, %add3A_660 : vector<16xi32>
      %mul3A_662 = arith.constant 16 : i32
      %mul3A_663 = arith.muli %scan3A_621, %mul3A_662 : i32
      %add3A_664 = arith.constant 18432 : i32
      %add3A_665 = arith.addi %add3A_664, %mul3A_663 : i32
      %swap3A = arith.index_cast %add3A_665 : i32 to index
      %swap3A_666 = tpu.vector_load %arg4[%swap3A] {strides = array<i32>} : memref<32768xi32, #tpu.memory_space<vmem>>, vector<16xi32>,
      %swap3A_667 = vector.shape_cast %swap3A_666 : vector<16xi32> to vector<16xi32>
      %swap3A_668 = vector.shape_cast %add3A_661 : vector<16xi32> to vector<16xi32>
      tpu.vector_store %arg4[%swap3A], %swap3A_668 {strides = array<i32>} : memref<32768xi32, #tpu.memory_space<vmem>>, vector<16xi32>,
    }
    %scan3A_154 = arith.constant 128 : i32
    %dma_start3A_155 = arith.constant 9 : i32
    %dma_start3A_156 = arith.constant 18432 : i32
    %dma_start3A_157 = tpu.memref_slice %arg5[%dma_start3A_156] : memref<32768xf32, #tpu.memory_space<vmem>> -> memref<2048xf32, #tpu.memory_space<vmem>>
    %dma_start3A_158 = arith.constant 18432 : i32
    %dma_start3A_159 = tpu.memref_slice %arg4[%dma_start3A_158] : memref<32768xi32, #tpu.memory_space<vmem>> -> memref<2048xi32, #tpu.memory_space<vmem>>
    %dma_start3A_160 = arith.constant 0 : i32
    %dma_start3A_161 = tpu.memref_slice %arg2[%dma_start3A_160] : memref<67108864xf32, #tpu.memory_space<hbm>> -> memref<67108864xf32, #tpu.memory_space<hbm>>
    %dma_start3A_162 = tpu.memref_slice %arg6[%dma_start3A_155] : memref<16x!tpu.dma_semaphore, #tpu.memory_space<semaphore_mem>> -> memref<1x!tpu.dma_semaphore, #tpu.memory_space<semaphore_mem>>
    %dma_start3A_163 = tpu.memref_squeeze %dma_start3A_162 : memref<1x!tpu.dma_semaphore, #tpu.memory_space<semaphore_mem>> -> memref<!tpu.dma_semaphore, #tpu.memory_space<semaphore_mem>>
    tpu.enqueue_indirect_dma source(%dma_start3A_161 : memref<67108864xf32, #tpu.memory_space<hbm>>) target(%dma_start3A_157 : memref<2048xf32, #tpu.memory_space<vmem>>) offsets(%dma_start3A_159 : memref<2048xi32, #tpu.memory_space<vmem>>) semaphore(%dma_start3A_163 : memref<!tpu.dma_semaphore, #tpu.memory_space<semaphore_mem>>)
    %scan3A_164 = arith.constant 0 : i32
    %scan3A_165 = arith.constant 0 : i32
    %scan3A_166 = arith.constant 128 : i32
    %scan3A_167 = arith.addi %scan3A_165, %scan3A_166 : i32
    %scan3A_168 = arith.constant 1 : i32
    scf.for %scan3A_621 = %scan3A_165 to %scan3A_167 step %scan3A_168  : i32 {
      %add3A_622 = arith.constant 20480 : i32
      %add3A_623 = arith.addi %mul3A_2, %add3A_622 : i32
      %mul3A_624 = arith.constant 16 : i32
      %mul3A_625 = arith.muli %scan3A_621, %mul3A_624 : i32
      %add3A_626 = arith.addi %add3A_623, %mul3A_625 : i32
      %shift_right_arithmetic3A = arith.constant 7 : i32
      %shift_right_arithmetic3A_627 = arith.shrsi %add3A_626, %shift_right_arithmetic3A : i32
      %and3A_628 = arith.constant 7 : i32
      %and3A_629 = arith.andi %shift_right_arithmetic3A_627, %and3A_628 : i32
      %shift_right_arithmetic3A_630 = arith.constant 10 : i32
      %shift_right_arithmetic3A_631 = arith.shrsi %add3A_626, %shift_right_arithmetic3A_630 : i32
      %and3A_632 = arith.constant 127 : i32
      %and3A_633 = arith.andi %shift_right_arithmetic3A_631, %and3A_632 : i32
      %shift_right_arithmetic3A_634 = arith.constant 17 : i32
      %shift_right_arithmetic3A_635 = arith.shrsi %add3A_626, %shift_right_arithmetic3A_634 : i32
      %and3A_636 = arith.constant 7 : i32
      %and3A_637 = arith.andi %shift_right_arithmetic3A_635, %and3A_636 : i32
      %mul3A_638 = arith.constant 524288 : i32
      %mul3A_639 = arith.muli %and3A_633, %mul3A_638 : i32
      %shift_right_arithmetic3A_640 = arith.constant 3 : i32
      %shift_right_arithmetic3A_641 = arith.shrsi %add3A_626, %shift_right_arithmetic3A_640 : i32
      %and3A_642 = arith.constant 15 : i32
      %and3A_643 = arith.andi %shift_right_arithmetic3A_641, %and3A_642 : i32
      %mul3A_644 = arith.constant 32768 : i32
      %mul3A_645 = arith.muli %and3A_643, %mul3A_644 : i32
      %add3A_646 = arith.addi %mul3A_639, %mul3A_645 : i32
      %mul3A_647 = arith.constant 4096 : i32
      %mul3A_648 = arith.muli %and3A_637, %mul3A_647 : i32
      %add3A_649 = arith.addi %add3A_646, %mul3A_648 : i32
      %shift_right_arithmetic3A_650 = arith.constant 1 : i32
      %shift_right_arithmetic3A_651 = arith.shrsi %and3A_629, %shift_right_arithmetic3A_650 : i32
      %mul3A_652 = arith.constant 1024 : i32
      %mul3A_653 = arith.muli %shift_right_arithmetic3A_651, %mul3A_652 : i32
      %add3A_654 = arith.addi %add3A_649, %mul3A_653 : i32
      %and3A_655 = arith.constant 1 : i32
      %and3A_656 = arith.andi %and3A_629, %and3A_655 : i32
      %mul3A_657 = arith.constant 64 : i32
      %mul3A_658 = arith.muli %and3A_656, %mul3A_657 : i32
      %add3A_659 = arith.addi %add3A_654, %mul3A_658 : i32
      %add3A_660 = vector.broadcast %add3A_659 : i32 to vector<16xi32>
      %add3A_661 = arith.addi %add3A_15, %add3A_660 : vector<16xi32>
      %mul3A_662 = arith.constant 16 : i32
      %mul3A_663 = arith.muli %scan3A_621, %mul3A_662 : i32
      %add3A_664 = arith.constant 20480 : i32
      %add3A_665 = arith.addi %add3A_664, %mul3A_663 : i32
      %swap3A = arith.index_cast %add3A_665 : i32 to index
      %swap3A_666 = tpu.vector_load %arg4[%swap3A] {strides = array<i32>} : memref<32768xi32, #tpu.memory_space<vmem>>, vector<16xi32>,
      %swap3A_667 = vector.shape_cast %swap3A_666 : vector<16xi32> to vector<16xi32>
      %swap3A_668 = vector.shape_cast %add3A_661 : vector<16xi32> to vector<16xi32>
      tpu.vector_store %arg4[%swap3A], %swap3A_668 {strides = array<i32>} : memref<32768xi32, #tpu.memory_space<vmem>>, vector<16xi32>,
    }
    %scan3A_169 = arith.constant 128 : i32
    %dma_start3A_170 = arith.constant 10 : i32
    %dma_start3A_171 = arith.constant 20480 : i32
    %dma_start3A_172 = tpu.memref_slice %arg5[%dma_start3A_171] : memref<32768xf32, #tpu.memory_space<vmem>> -> memref<2048xf32, #tpu.memory_space<vmem>>
    %dma_start3A_173 = arith.constant 20480 : i32
    %dma_start3A_174 = tpu.memref_slice %arg4[%dma_start3A_173] : memref<32768xi32, #tpu.memory_space<vmem>> -> memref<2048xi32, #tpu.memory_space<vmem>>
    %dma_start3A_175 = arith.constant 0 : i32
    %dma_start3A_176 = tpu.memref_slice %arg2[%dma_start3A_175] : memref<67108864xf32, #tpu.memory_space<hbm>> -> memref<67108864xf32, #tpu.memory_space<hbm>>
    %dma_start3A_177 = tpu.memref_slice %arg6[%dma_start3A_170] : memref<16x!tpu.dma_semaphore, #tpu.memory_space<semaphore_mem>> -> memref<1x!tpu.dma_semaphore, #tpu.memory_space<semaphore_mem>>
    %dma_start3A_178 = tpu.memref_squeeze %dma_start3A_177 : memref<1x!tpu.dma_semaphore, #tpu.memory_space<semaphore_mem>> -> memref<!tpu.dma_semaphore, #tpu.memory_space<semaphore_mem>>
    tpu.enqueue_indirect_dma source(%dma_start3A_176 : memref<67108864xf32, #tpu.memory_space<hbm>>) target(%dma_start3A_172 : memref<2048xf32, #tpu.memory_space<vmem>>) offsets(%dma_start3A_174 : memref<2048xi32, #tpu.memory_space<vmem>>) semaphore(%dma_start3A_178 : memref<!tpu.dma_semaphore, #tpu.memory_space<semaphore_mem>>)
    %scan3A_179 = arith.constant 0 : i32
    %scan3A_180 = arith.constant 0 : i32
    %scan3A_181 = arith.constant 128 : i32
    %scan3A_182 = arith.addi %scan3A_180, %scan3A_181 : i32
    %scan3A_183 = arith.constant 1 : i32
    scf.for %scan3A_621 = %scan3A_180 to %scan3A_182 step %scan3A_183  : i32 {
      %add3A_622 = arith.constant 22528 : i32
      %add3A_623 = arith.addi %mul3A_2, %add3A_622 : i32
      %mul3A_624 = arith.constant 16 : i32
      %mul3A_625 = arith.muli %scan3A_621, %mul3A_624 : i32
      %add3A_626 = arith.addi %add3A_623, %mul3A_625 : i32
      %shift_right_arithmetic3A = arith.constant 7 : i32
      %shift_right_arithmetic3A_627 = arith.shrsi %add3A_626, %shift_right_arithmetic3A : i32
      %and3A_628 = arith.constant 7 : i32
      %and3A_629 = arith.andi %shift_right_arithmetic3A_627, %and3A_628 : i32
      %shift_right_arithmetic3A_630 = arith.constant 10 : i32
      %shift_right_arithmetic3A_631 = arith.shrsi %add3A_626, %shift_right_arithmetic3A_630 : i32
      %and3A_632 = arith.constant 127 : i32
      %and3A_633 = arith.andi %shift_right_arithmetic3A_631, %and3A_632 : i32
      %shift_right_arithmetic3A_634 = arith.constant 17 : i32
      %shift_right_arithmetic3A_635 = arith.shrsi %add3A_626, %shift_right_arithmetic3A_634 : i32
      %and3A_636 = arith.constant 7 : i32
      %and3A_637 = arith.andi %shift_right_arithmetic3A_635, %and3A_636 : i32
      %mul3A_638 = arith.constant 524288 : i32
      %mul3A_639 = arith.muli %and3A_633, %mul3A_638 : i32
      %shift_right_arithmetic3A_640 = arith.constant 3 : i32
      %shift_right_arithmetic3A_641 = arith.shrsi %add3A_626, %shift_right_arithmetic3A_640 : i32
      %and3A_642 = arith.constant 15 : i32
      %and3A_643 = arith.andi %shift_right_arithmetic3A_641, %and3A_642 : i32
      %mul3A_644 = arith.constant 32768 : i32
      %mul3A_645 = arith.muli %and3A_643, %mul3A_644 : i32
      %add3A_646 = arith.addi %mul3A_639, %mul3A_645 : i32
      %mul3A_647 = arith.constant 4096 : i32
      %mul3A_648 = arith.muli %and3A_637, %mul3A_647 : i32
      %add3A_649 = arith.addi %add3A_646, %mul3A_648 : i32
      %shift_right_arithmetic3A_650 = arith.constant 1 : i32
      %shift_right_arithmetic3A_651 = arith.shrsi %and3A_629, %shift_right_arithmetic3A_650 : i32
      %mul3A_652 = arith.constant 1024 : i32
      %mul3A_653 = arith.muli %shift_right_arithmetic3A_651, %mul3A_652 : i32
      %add3A_654 = arith.addi %add3A_649, %mul3A_653 : i32
      %and3A_655 = arith.constant 1 : i32
      %and3A_656 = arith.andi %and3A_629, %and3A_655 : i32
      %mul3A_657 = arith.constant 64 : i32
      %mul3A_658 = arith.muli %and3A_656, %mul3A_657 : i32
      %add3A_659 = arith.addi %add3A_654, %mul3A_658 : i32
      %add3A_660 = vector.broadcast %add3A_659 : i32 to vector<16xi32>
      %add3A_661 = arith.addi %add3A_15, %add3A_660 : vector<16xi32>
      %mul3A_662 = arith.constant 16 : i32
      %mul3A_663 = arith.muli %scan3A_621, %mul3A_662 : i32
      %add3A_664 = arith.constant 22528 : i32
      %add3A_665 = arith.addi %add3A_664, %mul3A_663 : i32
      %swap3A = arith.index_cast %add3A_665 : i32 to index
      %swap3A_666 = tpu.vector_load %arg4[%swap3A] {strides = array<i32>} : memref<32768xi32, #tpu.memory_space<vmem>>, vector<16xi32>,
      %swap3A_667 = vector.shape_cast %swap3A_666 : vector<16xi32> to vector<16xi32>
      %swap3A_668 = vector.shape_cast %add3A_661 : vector<16xi32> to vector<16xi32>
      tpu.vector_store %arg4[%swap3A], %swap3A_668 {strides = array<i32>} : memref<32768xi32, #tpu.memory_space<vmem>>, vector<16xi32>,
    }
    %scan3A_184 = arith.constant 128 : i32
    %dma_start3A_185 = arith.constant 11 : i32
    %dma_start3A_186 = arith.constant 22528 : i32
    %dma_start3A_187 = tpu.memref_slice %arg5[%dma_start3A_186] : memref<32768xf32, #tpu.memory_space<vmem>> -> memref<2048xf32, #tpu.memory_space<vmem>>
    %dma_start3A_188 = arith.constant 22528 : i32
    %dma_start3A_189 = tpu.memref_slice %arg4[%dma_start3A_188] : memref<32768xi32, #tpu.memory_space<vmem>> -> memref<2048xi32, #tpu.memory_space<vmem>>
    %dma_start3A_190 = arith.constant 0 : i32
    %dma_start3A_191 = tpu.memref_slice %arg2[%dma_start3A_190] : memref<67108864xf32, #tpu.memory_space<hbm>> -> memref<67108864xf32, #tpu.memory_space<hbm>>
    %dma_start3A_192 = tpu.memref_slice %arg6[%dma_start3A_185] : memref<16x!tpu.dma_semaphore, #tpu.memory_space<semaphore_mem>> -> memref<1x!tpu.dma_semaphore, #tpu.memory_space<semaphore_mem>>
    %dma_start3A_193 = tpu.memref_squeeze %dma_start3A_192 : memref<1x!tpu.dma_semaphore, #tpu.memory_space<semaphore_mem>> -> memref<!tpu.dma_semaphore, #tpu.memory_space<semaphore_mem>>
    tpu.enqueue_indirect_dma source(%dma_start3A_191 : memref<67108864xf32, #tpu.memory_space<hbm>>) target(%dma_start3A_187 : memref<2048xf32, #tpu.memory_space<vmem>>) offsets(%dma_start3A_189 : memref<2048xi32, #tpu.memory_space<vmem>>) semaphore(%dma_start3A_193 : memref<!tpu.dma_semaphore, #tpu.memory_space<semaphore_mem>>)
    %scan3A_194 = arith.constant 0 : i32
    %scan3A_195 = arith.constant 0 : i32
    %scan3A_196 = arith.constant 128 : i32
    %scan3A_197 = arith.addi %scan3A_195, %scan3A_196 : i32
    %scan3A_198 = arith.constant 1 : i32
    scf.for %scan3A_621 = %scan3A_195 to %scan3A_197 step %scan3A_198  : i32 {
      %add3A_622 = arith.constant 24576 : i32
      %add3A_623 = arith.addi %mul3A_2, %add3A_622 : i32
      %mul3A_624 = arith.constant 16 : i32
      %mul3A_625 = arith.muli %scan3A_621, %mul3A_624 : i32
      %add3A_626 = arith.addi %add3A_623, %mul3A_625 : i32
      %shift_right_arithmetic3A = arith.constant 7 : i32
      %shift_right_arithmetic3A_627 = arith.shrsi %add3A_626, %shift_right_arithmetic3A : i32
      %and3A_628 = arith.constant 7 : i32
      %and3A_629 = arith.andi %shift_right_arithmetic3A_627, %and3A_628 : i32
      %shift_right_arithmetic3A_630 = arith.constant 10 : i32
      %shift_right_arithmetic3A_631 = arith.shrsi %add3A_626, %shift_right_arithmetic3A_630 : i32
      %and3A_632 = arith.constant 127 : i32
      %and3A_633 = arith.andi %shift_right_arithmetic3A_631, %and3A_632 : i32
      %shift_right_arithmetic3A_634 = arith.constant 17 : i32
      %shift_right_arithmetic3A_635 = arith.shrsi %add3A_626, %shift_right_arithmetic3A_634 : i32
      %and3A_636 = arith.constant 7 : i32
      %and3A_637 = arith.andi %shift_right_arithmetic3A_635, %and3A_636 : i32
      %mul3A_638 = arith.constant 524288 : i32
      %mul3A_639 = arith.muli %and3A_633, %mul3A_638 : i32
      %shift_right_arithmetic3A_640 = arith.constant 3 : i32
      %shift_right_arithmetic3A_641 = arith.shrsi %add3A_626, %shift_right_arithmetic3A_640 : i32
      %and3A_642 = arith.constant 15 : i32
      %and3A_643 = arith.andi %shift_right_arithmetic3A_641, %and3A_642 : i32
      %mul3A_644 = arith.constant 32768 : i32
      %mul3A_645 = arith.muli %and3A_643, %mul3A_644 : i32
      %add3A_646 = arith.addi %mul3A_639, %mul3A_645 : i32
      %mul3A_647 = arith.constant 4096 : i32
      %mul3A_648 = arith.muli %and3A_637, %mul3A_647 : i32
      %add3A_649 = arith.addi %add3A_646, %mul3A_648 : i32
      %shift_right_arithmetic3A_650 = arith.constant 1 : i32
      %shift_right_arithmetic3A_651 = arith.shrsi %and3A_629, %shift_right_arithmetic3A_650 : i32
      %mul3A_652 = arith.constant 1024 : i32
      %mul3A_653 = arith.muli %shift_right_arithmetic3A_651, %mul3A_652 : i32
      %add3A_654 = arith.addi %add3A_649, %mul3A_653 : i32
      %and3A_655 = arith.constant 1 : i32
      %and3A_656 = arith.andi %and3A_629, %and3A_655 : i32
      %mul3A_657 = arith.constant 64 : i32
      %mul3A_658 = arith.muli %and3A_656, %mul3A_657 : i32
      %add3A_659 = arith.addi %add3A_654, %mul3A_658 : i32
      %add3A_660 = vector.broadcast %add3A_659 : i32 to vector<16xi32>
      %add3A_661 = arith.addi %add3A_15, %add3A_660 : vector<16xi32>
      %mul3A_662 = arith.constant 16 : i32
      %mul3A_663 = arith.muli %scan3A_621, %mul3A_662 : i32
      %add3A_664 = arith.constant 24576 : i32
      %add3A_665 = arith.addi %add3A_664, %mul3A_663 : i32
      %swap3A = arith.index_cast %add3A_665 : i32 to index
      %swap3A_666 = tpu.vector_load %arg4[%swap3A] {strides = array<i32>} : memref<32768xi32, #tpu.memory_space<vmem>>, vector<16xi32>,
      %swap3A_667 = vector.shape_cast %swap3A_666 : vector<16xi32> to vector<16xi32>
      %swap3A_668 = vector.shape_cast %add3A_661 : vector<16xi32> to vector<16xi32>
      tpu.vector_store %arg4[%swap3A], %swap3A_668 {strides = array<i32>} : memref<32768xi32, #tpu.memory_space<vmem>>, vector<16xi32>,
    }
    %scan3A_199 = arith.constant 128 : i32
    %dma_start3A_200 = arith.constant 12 : i32
    %dma_start3A_201 = arith.constant 24576 : i32
    %dma_start3A_202 = tpu.memref_slice %arg5[%dma_start3A_201] : memref<32768xf32, #tpu.memory_space<vmem>> -> memref<2048xf32, #tpu.memory_space<vmem>>
    %dma_start3A_203 = arith.constant 24576 : i32
    %dma_start3A_204 = tpu.memref_slice %arg4[%dma_start3A_203] : memref<32768xi32, #tpu.memory_space<vmem>> -> memref<2048xi32, #tpu.memory_space<vmem>>
    %dma_start3A_205 = arith.constant 0 : i32
    %dma_start3A_206 = tpu.memref_slice %arg2[%dma_start3A_205] : memref<67108864xf32, #tpu.memory_space<hbm>> -> memref<67108864xf32, #tpu.memory_space<hbm>>
    %dma_start3A_207 = tpu.memref_slice %arg6[%dma_start3A_200] : memref<16x!tpu.dma_semaphore, #tpu.memory_space<semaphore_mem>> -> memref<1x!tpu.dma_semaphore, #tpu.memory_space<semaphore_mem>>
    %dma_start3A_208 = tpu.memref_squeeze %dma_start3A_207 : memref<1x!tpu.dma_semaphore, #tpu.memory_space<semaphore_mem>> -> memref<!tpu.dma_semaphore, #tpu.memory_space<semaphore_mem>>
    tpu.enqueue_indirect_dma source(%dma_start3A_206 : memref<67108864xf32, #tpu.memory_space<hbm>>) target(%dma_start3A_202 : memref<2048xf32, #tpu.memory_space<vmem>>) offsets(%dma_start3A_204 : memref<2048xi32, #tpu.memory_space<vmem>>) semaphore(%dma_start3A_208 : memref<!tpu.dma_semaphore, #tpu.memory_space<semaphore_mem>>)
    %scan3A_209 = arith.constant 0 : i32
    %scan3A_210 = arith.constant 0 : i32
    %scan3A_211 = arith.constant 128 : i32
    %scan3A_212 = arith.addi %scan3A_210, %scan3A_211 : i32
    %scan3A_213 = arith.constant 1 : i32
    scf.for %scan3A_621 = %scan3A_210 to %scan3A_212 step %scan3A_213  : i32 {
      %add3A_622 = arith.constant 26624 : i32
      %add3A_623 = arith.addi %mul3A_2, %add3A_622 : i32
      %mul3A_624 = arith.constant 16 : i32
      %mul3A_625 = arith.muli %scan3A_621, %mul3A_624 : i32
      %add3A_626 = arith.addi %add3A_623, %mul3A_625 : i32
      %shift_right_arithmetic3A = arith.constant 7 : i32
      %shift_right_arithmetic3A_627 = arith.shrsi %add3A_626, %shift_right_arithmetic3A : i32
      %and3A_628 = arith.constant 7 : i32
      %and3A_629 = arith.andi %shift_right_arithmetic3A_627, %and3A_628 : i32
      %shift_right_arithmetic3A_630 = arith.constant 10 : i32
      %shift_right_arithmetic3A_631 = arith.shrsi %add3A_626, %shift_right_arithmetic3A_630 : i32
      %and3A_632 = arith.constant 127 : i32
      %and3A_633 = arith.andi %shift_right_arithmetic3A_631, %and3A_632 : i32
      %shift_right_arithmetic3A_634 = arith.constant 17 : i32
      %shift_right_arithmetic3A_635 = arith.shrsi %add3A_626, %shift_right_arithmetic3A_634 : i32
      %and3A_636 = arith.constant 7 : i32
      %and3A_637 = arith.andi %shift_right_arithmetic3A_635, %and3A_636 : i32
      %mul3A_638 = arith.constant 524288 : i32
      %mul3A_639 = arith.muli %and3A_633, %mul3A_638 : i32
      %shift_right_arithmetic3A_640 = arith.constant 3 : i32
      %shift_right_arithmetic3A_641 = arith.shrsi %add3A_626, %shift_right_arithmetic3A_640 : i32
      %and3A_642 = arith.constant 15 : i32
      %and3A_643 = arith.andi %shift_right_arithmetic3A_641, %and3A_642 : i32
      %mul3A_644 = arith.constant 32768 : i32
      %mul3A_645 = arith.muli %and3A_643, %mul3A_644 : i32
      %add3A_646 = arith.addi %mul3A_639, %mul3A_645 : i32
      %mul3A_647 = arith.constant 4096 : i32
      %mul3A_648 = arith.muli %and3A_637, %mul3A_647 : i32
      %add3A_649 = arith.addi %add3A_646, %mul3A_648 : i32
      %shift_right_arithmetic3A_650 = arith.constant 1 : i32
      %shift_right_arithmetic3A_651 = arith.shrsi %and3A_629, %shift_right_arithmetic3A_650 : i32
      %mul3A_652 = arith.constant 1024 : i32
      %mul3A_653 = arith.muli %shift_right_arithmetic3A_651, %mul3A_652 : i32
      %add3A_654 = arith.addi %add3A_649, %mul3A_653 : i32
      %and3A_655 = arith.constant 1 : i32
      %and3A_656 = arith.andi %and3A_629, %and3A_655 : i32
      %mul3A_657 = arith.constant 64 : i32
      %mul3A_658 = arith.muli %and3A_656, %mul3A_657 : i32
      %add3A_659 = arith.addi %add3A_654, %mul3A_658 : i32
      %add3A_660 = vector.broadcast %add3A_659 : i32 to vector<16xi32>
      %add3A_661 = arith.addi %add3A_15, %add3A_660 : vector<16xi32>
      %mul3A_662 = arith.constant 16 : i32
      %mul3A_663 = arith.muli %scan3A_621, %mul3A_662 : i32
      %add3A_664 = arith.constant 26624 : i32
      %add3A_665 = arith.addi %add3A_664, %mul3A_663 : i32
      %swap3A = arith.index_cast %add3A_665 : i32 to index
      %swap3A_666 = tpu.vector_load %arg4[%swap3A] {strides = array<i32>} : memref<32768xi32, #tpu.memory_space<vmem>>, vector<16xi32>,
      %swap3A_667 = vector.shape_cast %swap3A_666 : vector<16xi32> to vector<16xi32>
      %swap3A_668 = vector.shape_cast %add3A_661 : vector<16xi32> to vector<16xi32>
      tpu.vector_store %arg4[%swap3A], %swap3A_668 {strides = array<i32>} : memref<32768xi32, #tpu.memory_space<vmem>>, vector<16xi32>,
    }
    %scan3A_214 = arith.constant 128 : i32
    %dma_start3A_215 = arith.constant 13 : i32
    %dma_start3A_216 = arith.constant 26624 : i32
    %dma_start3A_217 = tpu.memref_slice %arg5[%dma_start3A_216] : memref<32768xf32, #tpu.memory_space<vmem>> -> memref<2048xf32, #tpu.memory_space<vmem>>
    %dma_start3A_218 = arith.constant 26624 : i32
    %dma_start3A_219 = tpu.memref_slice %arg4[%dma_start3A_218] : memref<32768xi32, #tpu.memory_space<vmem>> -> memref<2048xi32, #tpu.memory_space<vmem>>
    %dma_start3A_220 = arith.constant 0 : i32
    %dma_start3A_221 = tpu.memref_slice %arg2[%dma_start3A_220] : memref<67108864xf32, #tpu.memory_space<hbm>> -> memref<67108864xf32, #tpu.memory_space<hbm>>
    %dma_start3A_222 = tpu.memref_slice %arg6[%dma_start3A_215] : memref<16x!tpu.dma_semaphore, #tpu.memory_space<semaphore_mem>> -> memref<1x!tpu.dma_semaphore, #tpu.memory_space<semaphore_mem>>
    %dma_start3A_223 = tpu.memref_squeeze %dma_start3A_222 : memref<1x!tpu.dma_semaphore, #tpu.memory_space<semaphore_mem>> -> memref<!tpu.dma_semaphore, #tpu.memory_space<semaphore_mem>>
    tpu.enqueue_indirect_dma source(%dma_start3A_221 : memref<67108864xf32, #tpu.memory_space<hbm>>) target(%dma_start3A_217 : memref<2048xf32, #tpu.memory_space<vmem>>) offsets(%dma_start3A_219 : memref<2048xi32, #tpu.memory_space<vmem>>) semaphore(%dma_start3A_223 : memref<!tpu.dma_semaphore, #tpu.memory_space<semaphore_mem>>)
    %scan3A_224 = arith.constant 0 : i32
    %scan3A_225 = arith.constant 0 : i32
    %scan3A_226 = arith.constant 128 : i32
    %scan3A_227 = arith.addi %scan3A_225, %scan3A_226 : i32
    %scan3A_228 = arith.constant 1 : i32
    scf.for %scan3A_621 = %scan3A_225 to %scan3A_227 step %scan3A_228  : i32 {
      %add3A_622 = arith.constant 28672 : i32
      %add3A_623 = arith.addi %mul3A_2, %add3A_622 : i32
      %mul3A_624 = arith.constant 16 : i32
      %mul3A_625 = arith.muli %scan3A_621, %mul3A_624 : i32
      %add3A_626 = arith.addi %add3A_623, %mul3A_625 : i32
      %shift_right_arithmetic3A = arith.constant 7 : i32
      %shift_right_arithmetic3A_627 = arith.shrsi %add3A_626, %shift_right_arithmetic3A : i32
      %and3A_628 = arith.constant 7 : i32
      %and3A_629 = arith.andi %shift_right_arithmetic3A_627, %and3A_628 : i32
      %shift_right_arithmetic3A_630 = arith.constant 10 : i32
      %shift_right_arithmetic3A_631 = arith.shrsi %add3A_626, %shift_right_arithmetic3A_630 : i32
      %and3A_632 = arith.constant 127 : i32
      %and3A_633 = arith.andi %shift_right_arithmetic3A_631, %and3A_632 : i32
      %shift_right_arithmetic3A_634 = arith.constant 17 : i32
      %shift_right_arithmetic3A_635 = arith.shrsi %add3A_626, %shift_right_arithmetic3A_634 : i32
      %and3A_636 = arith.constant 7 : i32
      %and3A_637 = arith.andi %shift_right_arithmetic3A_635, %and3A_636 : i32
      %mul3A_638 = arith.constant 524288 : i32
      %mul3A_639 = arith.muli %and3A_633, %mul3A_638 : i32
      %shift_right_arithmetic3A_640 = arith.constant 3 : i32
      %shift_right_arithmetic3A_641 = arith.shrsi %add3A_626, %shift_right_arithmetic3A_640 : i32
      %and3A_642 = arith.constant 15 : i32
      %and3A_643 = arith.andi %shift_right_arithmetic3A_641, %and3A_642 : i32
      %mul3A_644 = arith.constant 32768 : i32
      %mul3A_645 = arith.muli %and3A_643, %mul3A_644 : i32
      %add3A_646 = arith.addi %mul3A_639, %mul3A_645 : i32
      %mul3A_647 = arith.constant 4096 : i32
      %mul3A_648 = arith.muli %and3A_637, %mul3A_647 : i32
      %add3A_649 = arith.addi %add3A_646, %mul3A_648 : i32
      %shift_right_arithmetic3A_650 = arith.constant 1 : i32
      %shift_right_arithmetic3A_651 = arith.shrsi %and3A_629, %shift_right_arithmetic3A_650 : i32
      %mul3A_652 = arith.constant 1024 : i32
      %mul3A_653 = arith.muli %shift_right_arithmetic3A_651, %mul3A_652 : i32
      %add3A_654 = arith.addi %add3A_649, %mul3A_653 : i32
      %and3A_655 = arith.constant 1 : i32
      %and3A_656 = arith.andi %and3A_629, %and3A_655 : i32
      %mul3A_657 = arith.constant 64 : i32
      %mul3A_658 = arith.muli %and3A_656, %mul3A_657 : i32
      %add3A_659 = arith.addi %add3A_654, %mul3A_658 : i32
      %add3A_660 = vector.broadcast %add3A_659 : i32 to vector<16xi32>
      %add3A_661 = arith.addi %add3A_15, %add3A_660 : vector<16xi32>
      %mul3A_662 = arith.constant 16 : i32
      %mul3A_663 = arith.muli %scan3A_621, %mul3A_662 : i32
      %add3A_664 = arith.constant 28672 : i32
      %add3A_665 = arith.addi %add3A_664, %mul3A_663 : i32
      %swap3A = arith.index_cast %add3A_665 : i32 to index
      %swap3A_666 = tpu.vector_load %arg4[%swap3A] {strides = array<i32>} : memref<32768xi32, #tpu.memory_space<vmem>>, vector<16xi32>,
      %swap3A_667 = vector.shape_cast %swap3A_666 : vector<16xi32> to vector<16xi32>
      %swap3A_668 = vector.shape_cast %add3A_661 : vector<16xi32> to vector<16xi32>
      tpu.vector_store %arg4[%swap3A], %swap3A_668 {strides = array<i32>} : memref<32768xi32, #tpu.memory_space<vmem>>, vector<16xi32>,
    }
    %scan3A_229 = arith.constant 128 : i32
    %dma_start3A_230 = arith.constant 14 : i32
    %dma_start3A_231 = arith.constant 28672 : i32
    %dma_start3A_232 = tpu.memref_slice %arg5[%dma_start3A_231] : memref<32768xf32, #tpu.memory_space<vmem>> -> memref<2048xf32, #tpu.memory_space<vmem>>
    %dma_start3A_233 = arith.constant 28672 : i32
    %dma_start3A_234 = tpu.memref_slice %arg4[%dma_start3A_233] : memref<32768xi32, #tpu.memory_space<vmem>> -> memref<2048xi32, #tpu.memory_space<vmem>>
    %dma_start3A_235 = arith.constant 0 : i32
    %dma_start3A_236 = tpu.memref_slice %arg2[%dma_start3A_235] : memref<67108864xf32, #tpu.memory_space<hbm>> -> memref<67108864xf32, #tpu.memory_space<hbm>>
    %dma_start3A_237 = tpu.memref_slice %arg6[%dma_start3A_230] : memref<16x!tpu.dma_semaphore, #tpu.memory_space<semaphore_mem>> -> memref<1x!tpu.dma_semaphore, #tpu.memory_space<semaphore_mem>>
    %dma_start3A_238 = tpu.memref_squeeze %dma_start3A_237 : memref<1x!tpu.dma_semaphore, #tpu.memory_space<semaphore_mem>> -> memref<!tpu.dma_semaphore, #tpu.memory_space<semaphore_mem>>
    tpu.enqueue_indirect_dma source(%dma_start3A_236 : memref<67108864xf32, #tpu.memory_space<hbm>>) target(%dma_start3A_232 : memref<2048xf32, #tpu.memory_space<vmem>>) offsets(%dma_start3A_234 : memref<2048xi32, #tpu.memory_space<vmem>>) semaphore(%dma_start3A_238 : memref<!tpu.dma_semaphore, #tpu.memory_space<semaphore_mem>>)
    %scan3A_239 = arith.constant 0 : i32
    %scan3A_240 = arith.constant 0 : i32
    %scan3A_241 = arith.constant 128 : i32
    %scan3A_242 = arith.addi %scan3A_240, %scan3A_241 : i32
    %scan3A_243 = arith.constant 1 : i32
    scf.for %scan3A_621 = %scan3A_240 to %scan3A_242 step %scan3A_243  : i32 {
      %add3A_622 = arith.constant 30720 : i32
      %add3A_623 = arith.addi %mul3A_2, %add3A_622 : i32
      %mul3A_624 = arith.constant 16 : i32
      %mul3A_625 = arith.muli %scan3A_621, %mul3A_624 : i32
      %add3A_626 = arith.addi %add3A_623, %mul3A_625 : i32
      %shift_right_arithmetic3A = arith.constant 7 : i32
      %shift_right_arithmetic3A_627 = arith.shrsi %add3A_626, %shift_right_arithmetic3A : i32
      %and3A_628 = arith.constant 7 : i32
      %and3A_629 = arith.andi %shift_right_arithmetic3A_627, %and3A_628 : i32
      %shift_right_arithmetic3A_630 = arith.constant 10 : i32
      %shift_right_arithmetic3A_631 = arith.shrsi %add3A_626, %shift_right_arithmetic3A_630 : i32
      %and3A_632 = arith.constant 127 : i32
      %and3A_633 = arith.andi %shift_right_arithmetic3A_631, %and3A_632 : i32
      %shift_right_arithmetic3A_634 = arith.constant 17 : i32
      %shift_right_arithmetic3A_635 = arith.shrsi %add3A_626, %shift_right_arithmetic3A_634 : i32
      %and3A_636 = arith.constant 7 : i32
      %and3A_637 = arith.andi %shift_right_arithmetic3A_635, %and3A_636 : i32
      %mul3A_638 = arith.constant 524288 : i32
      %mul3A_639 = arith.muli %and3A_633, %mul3A_638 : i32
      %shift_right_arithmetic3A_640 = arith.constant 3 : i32
      %shift_right_arithmetic3A_641 = arith.shrsi %add3A_626, %shift_right_arithmetic3A_640 : i32
      %and3A_642 = arith.constant 15 : i32
      %and3A_643 = arith.andi %shift_right_arithmetic3A_641, %and3A_642 : i32
      %mul3A_644 = arith.constant 32768 : i32
      %mul3A_645 = arith.muli %and3A_643, %mul3A_644 : i32
      %add3A_646 = arith.addi %mul3A_639, %mul3A_645 : i32
      %mul3A_647 = arith.constant 4096 : i32
      %mul3A_648 = arith.muli %and3A_637, %mul3A_647 : i32
      %add3A_649 = arith.addi %add3A_646, %mul3A_648 : i32
      %shift_right_arithmetic3A_650 = arith.constant 1 : i32
      %shift_right_arithmetic3A_651 = arith.shrsi %and3A_629, %shift_right_arithmetic3A_650 : i32
      %mul3A_652 = arith.constant 1024 : i32
      %mul3A_653 = arith.muli %shift_right_arithmetic3A_651, %mul3A_652 : i32
      %add3A_654 = arith.addi %add3A_649, %mul3A_653 : i32
      %and3A_655 = arith.constant 1 : i32
      %and3A_656 = arith.andi %and3A_629, %and3A_655 : i32
      %mul3A_657 = arith.constant 64 : i32
      %mul3A_658 = arith.muli %and3A_656, %mul3A_657 : i32
      %add3A_659 = arith.addi %add3A_654, %mul3A_658 : i32
      %add3A_660 = vector.broadcast %add3A_659 : i32 to vector<16xi32>
      %add3A_661 = arith.addi %add3A_15, %add3A_660 : vector<16xi32>
      %mul3A_662 = arith.constant 16 : i32
      %mul3A_663 = arith.muli %scan3A_621, %mul3A_662 : i32
      %add3A_664 = arith.constant 30720 : i32
      %add3A_665 = arith.addi %add3A_664, %mul3A_663 : i32
      %swap3A = arith.index_cast %add3A_665 : i32 to index
      %swap3A_666 = tpu.vector_load %arg4[%swap3A] {strides = array<i32>} : memref<32768xi32, #tpu.memory_space<vmem>>, vector<16xi32>,
      %swap3A_667 = vector.shape_cast %swap3A_666 : vector<16xi32> to vector<16xi32>
      %swap3A_668 = vector.shape_cast %add3A_661 : vector<16xi32> to vector<16xi32>
      tpu.vector_store %arg4[%swap3A], %swap3A_668 {strides = array<i32>} : memref<32768xi32, #tpu.memory_space<vmem>>, vector<16xi32>,
    }
    %scan3A_244 = arith.constant 128 : i32
    %dma_start3A_245 = arith.constant 15 : i32
    %dma_start3A_246 = arith.constant 30720 : i32
    %dma_start3A_247 = tpu.memref_slice %arg5[%dma_start3A_246] : memref<32768xf32, #tpu.memory_space<vmem>> -> memref<2048xf32, #tpu.memory_space<vmem>>
    %dma_start3A_248 = arith.constant 30720 : i32
    %dma_start3A_249 = tpu.memref_slice %arg4[%dma_start3A_248] : memref<32768xi32, #tpu.memory_space<vmem>> -> memref<2048xi32, #tpu.memory_space<vmem>>
    %dma_start3A_250 = arith.constant 0 : i32
    %dma_start3A_251 = tpu.memref_slice %arg2[%dma_start3A_250] : memref<67108864xf32, #tpu.memory_space<hbm>> -> memref<67108864xf32, #tpu.memory_space<hbm>>
    %dma_start3A_252 = tpu.memref_slice %arg6[%dma_start3A_245] : memref<16x!tpu.dma_semaphore, #tpu.memory_space<semaphore_mem>> -> memref<1x!tpu.dma_semaphore, #tpu.memory_space<semaphore_mem>>
    %dma_start3A_253 = tpu.memref_squeeze %dma_start3A_252 : memref<1x!tpu.dma_semaphore, #tpu.memory_space<semaphore_mem>> -> memref<!tpu.dma_semaphore, #tpu.memory_space<semaphore_mem>>
    tpu.enqueue_indirect_dma source(%dma_start3A_251 : memref<67108864xf32, #tpu.memory_space<hbm>>) target(%dma_start3A_247 : memref<2048xf32, #tpu.memory_space<vmem>>) offsets(%dma_start3A_249 : memref<2048xi32, #tpu.memory_space<vmem>>) semaphore(%dma_start3A_253 : memref<!tpu.dma_semaphore, #tpu.memory_space<semaphore_mem>>)
    %dma_wait3A = arith.constant 0 : i32
    %dma_wait3A_254 = arith.constant 0 : i32
    %dma_wait3A_255 = tpu.memref_slice %arg5[%dma_wait3A_254] : memref<32768xf32, #tpu.memory_space<vmem>> -> memref<2048xf32, #tpu.memory_space<vmem>>
    %dma_wait3A_256 = arith.constant 0 : i32
    %dma_wait3A_257 = tpu.memref_slice %arg4[%dma_wait3A_256] : memref<32768xi32, #tpu.memory_space<vmem>> -> memref<2048xi32, #tpu.memory_space<vmem>>
    %dma_wait3A_258 = arith.constant 0 : i32
    %dma_wait3A_259 = tpu.memref_slice %arg2[%dma_wait3A_258] : memref<67108864xf32, #tpu.memory_space<hbm>> -> memref<67108864xf32, #tpu.memory_space<hbm>>
    %dma_wait3A_260 = tpu.memref_slice %arg6[%dma_wait3A] : memref<16x!tpu.dma_semaphore, #tpu.memory_space<semaphore_mem>> -> memref<1x!tpu.dma_semaphore, #tpu.memory_space<semaphore_mem>>
    %dma_wait3A_261 = tpu.memref_squeeze %dma_wait3A_260 : memref<1x!tpu.dma_semaphore, #tpu.memory_space<semaphore_mem>> -> memref<!tpu.dma_semaphore, #tpu.memory_space<semaphore_mem>>
    tpu.wait_indirect_dma semaphore(%dma_wait3A_261 : memref<!tpu.dma_semaphore, #tpu.memory_space<semaphore_mem>>) src(%dma_wait3A_259 : memref<67108864xf32, #tpu.memory_space<hbm>>) dst(%dma_wait3A_255 : memref<2048xf32, #tpu.memory_space<vmem>>)
    %add3A_262 = arith.constant 0 : i32
    %add3A_263 = arith.addi %mul3A_2, %add3A_262 : i32
    %dma_start3A_264 = arith.constant 0 : i32
    %dma_start3A_265 = tpu.memref_slice %arg5[%dma_start3A_264] : memref<32768xf32, #tpu.memory_space<vmem>> -> memref<2048xf32, #tpu.memory_space<vmem>>
    %dma_start3A_266 = tpu.memref_slice %arg3[%add3A_263] : memref<1048576xf32, #tpu.memory_space<hbm>> -> memref<2048xf32, #tpu.memory_space<hbm>>
    %dma_start3A_267 = tpu.memref_slice %arg3[%add3A_263] : memref<1048576xf32, #tpu.memory_space<hbm>> -> memref<2048xf32, #tpu.memory_space<hbm>>
    %dma_start3A_268 = arith.constant 0 : i32
    %dma_start3A_269 = tpu.memref_slice %arg5[%dma_start3A_268] : memref<32768xf32, #tpu.memory_space<vmem>> -> memref<2048xf32, #tpu.memory_space<vmem>>
    tpu.enqueue_dma source(%dma_start3A_269 : memref<2048xf32, #tpu.memory_space<vmem>>) target(%dma_start3A_267 : memref<2048xf32, #tpu.memory_space<hbm>>) target_semaphore(%arg7 : memref<!tpu.dma_semaphore, #tpu.memory_space<semaphore_mem>>)
    %dma_wait3A_270 = arith.constant 1 : i32
    %dma_wait3A_271 = arith.constant 2048 : i32
    %dma_wait3A_272 = tpu.memref_slice %arg5[%dma_wait3A_271] : memref<32768xf32, #tpu.memory_space<vmem>> -> memref<2048xf32, #tpu.memory_space<vmem>>
    %dma_wait3A_273 = arith.constant 2048 : i32
    %dma_wait3A_274 = tpu.memref_slice %arg4[%dma_wait3A_273] : memref<32768xi32, #tpu.memory_space<vmem>> -> memref<2048xi32, #tpu.memory_space<vmem>>
    %dma_wait3A_275 = arith.constant 0 : i32
    %dma_wait3A_276 = tpu.memref_slice %arg2[%dma_wait3A_275] : memref<67108864xf32, #tpu.memory_space<hbm>> -> memref<67108864xf32, #tpu.memory_space<hbm>>
    %dma_wait3A_277 = tpu.memref_slice %arg6[%dma_wait3A_270] : memref<16x!tpu.dma_semaphore, #tpu.memory_space<semaphore_mem>> -> memref<1x!tpu.dma_semaphore, #tpu.memory_space<semaphore_mem>>
    %dma_wait3A_278 = tpu.memref_squeeze %dma_wait3A_277 : memref<1x!tpu.dma_semaphore, #tpu.memory_space<semaphore_mem>> -> memref<!tpu.dma_semaphore, #tpu.memory_space<semaphore_mem>>
    tpu.wait_indirect_dma semaphore(%dma_wait3A_278 : memref<!tpu.dma_semaphore, #tpu.memory_space<semaphore_mem>>) src(%dma_wait3A_276 : memref<67108864xf32, #tpu.memory_space<hbm>>) dst(%dma_wait3A_272 : memref<2048xf32, #tpu.memory_space<vmem>>)
    %add3A_279 = arith.constant 2048 : i32
    %add3A_280 = arith.addi %mul3A_2, %add3A_279 : i32
    %dma_start3A_281 = arith.constant 2048 : i32
    %dma_start3A_282 = tpu.memref_slice %arg5[%dma_start3A_281] : memref<32768xf32, #tpu.memory_space<vmem>> -> memref<2048xf32, #tpu.memory_space<vmem>>
    %dma_start3A_283 = tpu.memref_slice %arg3[%add3A_280] : memref<1048576xf32, #tpu.memory_space<hbm>> -> memref<2048xf32, #tpu.memory_space<hbm>>
    %dma_start3A_284 = tpu.memref_slice %arg3[%add3A_280] : memref<1048576xf32, #tpu.memory_space<hbm>> -> memref<2048xf32, #tpu.memory_space<hbm>>
    %dma_start3A_285 = arith.constant 2048 : i32
    %dma_start3A_286 = tpu.memref_slice %arg5[%dma_start3A_285] : memref<32768xf32, #tpu.memory_space<vmem>> -> memref<2048xf32, #tpu.memory_space<vmem>>
    tpu.enqueue_dma source(%dma_start3A_286 : memref<2048xf32, #tpu.memory_space<vmem>>) target(%dma_start3A_284 : memref<2048xf32, #tpu.memory_space<hbm>>) target_semaphore(%arg7 : memref<!tpu.dma_semaphore, #tpu.memory_space<semaphore_mem>>)
    %dma_wait3A_287 = arith.constant 2 : i32
    %dma_wait3A_288 = arith.constant 4096 : i32
    %dma_wait3A_289 = tpu.memref_slice %arg5[%dma_wait3A_288] : memref<32768xf32, #tpu.memory_space<vmem>> -> memref<2048xf32, #tpu.memory_space<vmem>>
    %dma_wait3A_290 = arith.constant 4096 : i32
    %dma_wait3A_291 = tpu.memref_slice %arg4[%dma_wait3A_290] : memref<32768xi32, #tpu.memory_space<vmem>> -> memref<2048xi32, #tpu.memory_space<vmem>>
    %dma_wait3A_292 = arith.constant 0 : i32
    %dma_wait3A_293 = tpu.memref_slice %arg2[%dma_wait3A_292] : memref<67108864xf32, #tpu.memory_space<hbm>> -> memref<67108864xf32, #tpu.memory_space<hbm>>
    %dma_wait3A_294 = tpu.memref_slice %arg6[%dma_wait3A_287] : memref<16x!tpu.dma_semaphore, #tpu.memory_space<semaphore_mem>> -> memref<1x!tpu.dma_semaphore, #tpu.memory_space<semaphore_mem>>
    %dma_wait3A_295 = tpu.memref_squeeze %dma_wait3A_294 : memref<1x!tpu.dma_semaphore, #tpu.memory_space<semaphore_mem>> -> memref<!tpu.dma_semaphore, #tpu.memory_space<semaphore_mem>>
    tpu.wait_indirect_dma semaphore(%dma_wait3A_295 : memref<!tpu.dma_semaphore, #tpu.memory_space<semaphore_mem>>) src(%dma_wait3A_293 : memref<67108864xf32, #tpu.memory_space<hbm>>) dst(%dma_wait3A_289 : memref<2048xf32, #tpu.memory_space<vmem>>)
    %add3A_296 = arith.constant 4096 : i32
    %add3A_297 = arith.addi %mul3A_2, %add3A_296 : i32
    %dma_start3A_298 = arith.constant 4096 : i32
    %dma_start3A_299 = tpu.memref_slice %arg5[%dma_start3A_298] : memref<32768xf32, #tpu.memory_space<vmem>> -> memref<2048xf32, #tpu.memory_space<vmem>>
    %dma_start3A_300 = tpu.memref_slice %arg3[%add3A_297] : memref<1048576xf32, #tpu.memory_space<hbm>> -> memref<2048xf32, #tpu.memory_space<hbm>>
    %dma_start3A_301 = tpu.memref_slice %arg3[%add3A_297] : memref<1048576xf32, #tpu.memory_space<hbm>> -> memref<2048xf32, #tpu.memory_space<hbm>>
    %dma_start3A_302 = arith.constant 4096 : i32
    %dma_start3A_303 = tpu.memref_slice %arg5[%dma_start3A_302] : memref<32768xf32, #tpu.memory_space<vmem>> -> memref<2048xf32, #tpu.memory_space<vmem>>
    tpu.enqueue_dma source(%dma_start3A_303 : memref<2048xf32, #tpu.memory_space<vmem>>) target(%dma_start3A_301 : memref<2048xf32, #tpu.memory_space<hbm>>) target_semaphore(%arg7 : memref<!tpu.dma_semaphore, #tpu.memory_space<semaphore_mem>>)
    %dma_wait3A_304 = arith.constant 3 : i32
    %dma_wait3A_305 = arith.constant 6144 : i32
    %dma_wait3A_306 = tpu.memref_slice %arg5[%dma_wait3A_305] : memref<32768xf32, #tpu.memory_space<vmem>> -> memref<2048xf32, #tpu.memory_space<vmem>>
    %dma_wait3A_307 = arith.constant 6144 : i32
    %dma_wait3A_308 = tpu.memref_slice %arg4[%dma_wait3A_307] : memref<32768xi32, #tpu.memory_space<vmem>> -> memref<2048xi32, #tpu.memory_space<vmem>>
    %dma_wait3A_309 = arith.constant 0 : i32
    %dma_wait3A_310 = tpu.memref_slice %arg2[%dma_wait3A_309] : memref<67108864xf32, #tpu.memory_space<hbm>> -> memref<67108864xf32, #tpu.memory_space<hbm>>
    %dma_wait3A_311 = tpu.memref_slice %arg6[%dma_wait3A_304] : memref<16x!tpu.dma_semaphore, #tpu.memory_space<semaphore_mem>> -> memref<1x!tpu.dma_semaphore, #tpu.memory_space<semaphore_mem>>
    %dma_wait3A_312 = tpu.memref_squeeze %dma_wait3A_311 : memref<1x!tpu.dma_semaphore, #tpu.memory_space<semaphore_mem>> -> memref<!tpu.dma_semaphore, #tpu.memory_space<semaphore_mem>>
    tpu.wait_indirect_dma semaphore(%dma_wait3A_312 : memref<!tpu.dma_semaphore, #tpu.memory_space<semaphore_mem>>) src(%dma_wait3A_310 : memref<67108864xf32, #tpu.memory_space<hbm>>) dst(%dma_wait3A_306 : memref<2048xf32, #tpu.memory_space<vmem>>)
    %add3A_313 = arith.constant 6144 : i32
    %add3A_314 = arith.addi %mul3A_2, %add3A_313 : i32
    %dma_start3A_315 = arith.constant 6144 : i32
    %dma_start3A_316 = tpu.memref_slice %arg5[%dma_start3A_315] : memref<32768xf32, #tpu.memory_space<vmem>> -> memref<2048xf32, #tpu.memory_space<vmem>>
    %dma_start3A_317 = tpu.memref_slice %arg3[%add3A_314] : memref<1048576xf32, #tpu.memory_space<hbm>> -> memref<2048xf32, #tpu.memory_space<hbm>>
    %dma_start3A_318 = tpu.memref_slice %arg3[%add3A_314] : memref<1048576xf32, #tpu.memory_space<hbm>> -> memref<2048xf32, #tpu.memory_space<hbm>>
    %dma_start3A_319 = arith.constant 6144 : i32
    %dma_start3A_320 = tpu.memref_slice %arg5[%dma_start3A_319] : memref<32768xf32, #tpu.memory_space<vmem>> -> memref<2048xf32, #tpu.memory_space<vmem>>
    tpu.enqueue_dma source(%dma_start3A_320 : memref<2048xf32, #tpu.memory_space<vmem>>) target(%dma_start3A_318 : memref<2048xf32, #tpu.memory_space<hbm>>) target_semaphore(%arg7 : memref<!tpu.dma_semaphore, #tpu.memory_space<semaphore_mem>>)
    %dma_wait3A_321 = arith.constant 4 : i32
    %dma_wait3A_322 = arith.constant 8192 : i32
    %dma_wait3A_323 = tpu.memref_slice %arg5[%dma_wait3A_322] : memref<32768xf32, #tpu.memory_space<vmem>> -> memref<2048xf32, #tpu.memory_space<vmem>>
    %dma_wait3A_324 = arith.constant 8192 : i32
    %dma_wait3A_325 = tpu.memref_slice %arg4[%dma_wait3A_324] : memref<32768xi32, #tpu.memory_space<vmem>> -> memref<2048xi32, #tpu.memory_space<vmem>>
    %dma_wait3A_326 = arith.constant 0 : i32
    %dma_wait3A_327 = tpu.memref_slice %arg2[%dma_wait3A_326] : memref<67108864xf32, #tpu.memory_space<hbm>> -> memref<67108864xf32, #tpu.memory_space<hbm>>
    %dma_wait3A_328 = tpu.memref_slice %arg6[%dma_wait3A_321] : memref<16x!tpu.dma_semaphore, #tpu.memory_space<semaphore_mem>> -> memref<1x!tpu.dma_semaphore, #tpu.memory_space<semaphore_mem>>
    %dma_wait3A_329 = tpu.memref_squeeze %dma_wait3A_328 : memref<1x!tpu.dma_semaphore, #tpu.memory_space<semaphore_mem>> -> memref<!tpu.dma_semaphore, #tpu.memory_space<semaphore_mem>>
    tpu.wait_indirect_dma semaphore(%dma_wait3A_329 : memref<!tpu.dma_semaphore, #tpu.memory_space<semaphore_mem>>) src(%dma_wait3A_327 : memref<67108864xf32, #tpu.memory_space<hbm>>) dst(%dma_wait3A_323 : memref<2048xf32, #tpu.memory_space<vmem>>)
    %add3A_330 = arith.constant 8192 : i32
    %add3A_331 = arith.addi %mul3A_2, %add3A_330 : i32
    %dma_start3A_332 = arith.constant 8192 : i32
    %dma_start3A_333 = tpu.memref_slice %arg5[%dma_start3A_332] : memref<32768xf32, #tpu.memory_space<vmem>> -> memref<2048xf32, #tpu.memory_space<vmem>>
    %dma_start3A_334 = tpu.memref_slice %arg3[%add3A_331] : memref<1048576xf32, #tpu.memory_space<hbm>> -> memref<2048xf32, #tpu.memory_space<hbm>>
    %dma_start3A_335 = tpu.memref_slice %arg3[%add3A_331] : memref<1048576xf32, #tpu.memory_space<hbm>> -> memref<2048xf32, #tpu.memory_space<hbm>>
    %dma_start3A_336 = arith.constant 8192 : i32
    %dma_start3A_337 = tpu.memref_slice %arg5[%dma_start3A_336] : memref<32768xf32, #tpu.memory_space<vmem>> -> memref<2048xf32, #tpu.memory_space<vmem>>
    tpu.enqueue_dma source(%dma_start3A_337 : memref<2048xf32, #tpu.memory_space<vmem>>) target(%dma_start3A_335 : memref<2048xf32, #tpu.memory_space<hbm>>) target_semaphore(%arg7 : memref<!tpu.dma_semaphore, #tpu.memory_space<semaphore_mem>>)
    %dma_wait3A_338 = arith.constant 5 : i32
    %dma_wait3A_339 = arith.constant 10240 : i32
    %dma_wait3A_340 = tpu.memref_slice %arg5[%dma_wait3A_339] : memref<32768xf32, #tpu.memory_space<vmem>> -> memref<2048xf32, #tpu.memory_space<vmem>>
    %dma_wait3A_341 = arith.constant 10240 : i32
    %dma_wait3A_342 = tpu.memref_slice %arg4[%dma_wait3A_341] : memref<32768xi32, #tpu.memory_space<vmem>> -> memref<2048xi32, #tpu.memory_space<vmem>>
    %dma_wait3A_343 = arith.constant 0 : i32
    %dma_wait3A_344 = tpu.memref_slice %arg2[%dma_wait3A_343] : memref<67108864xf32, #tpu.memory_space<hbm>> -> memref<67108864xf32, #tpu.memory_space<hbm>>
    %dma_wait3A_345 = tpu.memref_slice %arg6[%dma_wait3A_338] : memref<16x!tpu.dma_semaphore, #tpu.memory_space<semaphore_mem>> -> memref<1x!tpu.dma_semaphore, #tpu.memory_space<semaphore_mem>>
    %dma_wait3A_346 = tpu.memref_squeeze %dma_wait3A_345 : memref<1x!tpu.dma_semaphore, #tpu.memory_space<semaphore_mem>> -> memref<!tpu.dma_semaphore, #tpu.memory_space<semaphore_mem>>
    tpu.wait_indirect_dma semaphore(%dma_wait3A_346 : memref<!tpu.dma_semaphore, #tpu.memory_space<semaphore_mem>>) src(%dma_wait3A_344 : memref<67108864xf32, #tpu.memory_space<hbm>>) dst(%dma_wait3A_340 : memref<2048xf32, #tpu.memory_space<vmem>>)
    %add3A_347 = arith.constant 10240 : i32
    %add3A_348 = arith.addi %mul3A_2, %add3A_347 : i32
    %dma_start3A_349 = arith.constant 10240 : i32
    %dma_start3A_350 = tpu.memref_slice %arg5[%dma_start3A_349] : memref<32768xf32, #tpu.memory_space<vmem>> -> memref<2048xf32, #tpu.memory_space<vmem>>
    %dma_start3A_351 = tpu.memref_slice %arg3[%add3A_348] : memref<1048576xf32, #tpu.memory_space<hbm>> -> memref<2048xf32, #tpu.memory_space<hbm>>
    %dma_start3A_352 = tpu.memref_slice %arg3[%add3A_348] : memref<1048576xf32, #tpu.memory_space<hbm>> -> memref<2048xf32, #tpu.memory_space<hbm>>
    %dma_start3A_353 = arith.constant 10240 : i32
    %dma_start3A_354 = tpu.memref_slice %arg5[%dma_start3A_353] : memref<32768xf32, #tpu.memory_space<vmem>> -> memref<2048xf32, #tpu.memory_space<vmem>>
    tpu.enqueue_dma source(%dma_start3A_354 : memref<2048xf32, #tpu.memory_space<vmem>>) target(%dma_start3A_352 : memref<2048xf32, #tpu.memory_space<hbm>>) target_semaphore(%arg7 : memref<!tpu.dma_semaphore, #tpu.memory_space<semaphore_mem>>)
    %dma_wait3A_355 = arith.constant 6 : i32
    %dma_wait3A_356 = arith.constant 12288 : i32
    %dma_wait3A_357 = tpu.memref_slice %arg5[%dma_wait3A_356] : memref<32768xf32, #tpu.memory_space<vmem>> -> memref<2048xf32, #tpu.memory_space<vmem>>
    %dma_wait3A_358 = arith.constant 12288 : i32
    %dma_wait3A_359 = tpu.memref_slice %arg4[%dma_wait3A_358] : memref<32768xi32, #tpu.memory_space<vmem>> -> memref<2048xi32, #tpu.memory_space<vmem>>
    %dma_wait3A_360 = arith.constant 0 : i32
    %dma_wait3A_361 = tpu.memref_slice %arg2[%dma_wait3A_360] : memref<67108864xf32, #tpu.memory_space<hbm>> -> memref<67108864xf32, #tpu.memory_space<hbm>>
    %dma_wait3A_362 = tpu.memref_slice %arg6[%dma_wait3A_355] : memref<16x!tpu.dma_semaphore, #tpu.memory_space<semaphore_mem>> -> memref<1x!tpu.dma_semaphore, #tpu.memory_space<semaphore_mem>>
    %dma_wait3A_363 = tpu.memref_squeeze %dma_wait3A_362 : memref<1x!tpu.dma_semaphore, #tpu.memory_space<semaphore_mem>> -> memref<!tpu.dma_semaphore, #tpu.memory_space<semaphore_mem>>
    tpu.wait_indirect_dma semaphore(%dma_wait3A_363 : memref<!tpu.dma_semaphore, #tpu.memory_space<semaphore_mem>>) src(%dma_wait3A_361 : memref<67108864xf32, #tpu.memory_space<hbm>>) dst(%dma_wait3A_357 : memref<2048xf32, #tpu.memory_space<vmem>>)
    %add3A_364 = arith.constant 12288 : i32
    %add3A_365 = arith.addi %mul3A_2, %add3A_364 : i32
    %dma_start3A_366 = arith.constant 12288 : i32
    %dma_start3A_367 = tpu.memref_slice %arg5[%dma_start3A_366] : memref<32768xf32, #tpu.memory_space<vmem>> -> memref<2048xf32, #tpu.memory_space<vmem>>
    %dma_start3A_368 = tpu.memref_slice %arg3[%add3A_365] : memref<1048576xf32, #tpu.memory_space<hbm>> -> memref<2048xf32, #tpu.memory_space<hbm>>
    %dma_start3A_369 = tpu.memref_slice %arg3[%add3A_365] : memref<1048576xf32, #tpu.memory_space<hbm>> -> memref<2048xf32, #tpu.memory_space<hbm>>
    %dma_start3A_370 = arith.constant 12288 : i32
    %dma_start3A_371 = tpu.memref_slice %arg5[%dma_start3A_370] : memref<32768xf32, #tpu.memory_space<vmem>> -> memref<2048xf32, #tpu.memory_space<vmem>>
    tpu.enqueue_dma source(%dma_start3A_371 : memref<2048xf32, #tpu.memory_space<vmem>>) target(%dma_start3A_369 : memref<2048xf32, #tpu.memory_space<hbm>>) target_semaphore(%arg7 : memref<!tpu.dma_semaphore, #tpu.memory_space<semaphore_mem>>)
    %dma_wait3A_372 = arith.constant 7 : i32
    %dma_wait3A_373 = arith.constant 14336 : i32
    %dma_wait3A_374 = tpu.memref_slice %arg5[%dma_wait3A_373] : memref<32768xf32, #tpu.memory_space<vmem>> -> memref<2048xf32, #tpu.memory_space<vmem>>
    %dma_wait3A_375 = arith.constant 14336 : i32
    %dma_wait3A_376 = tpu.memref_slice %arg4[%dma_wait3A_375] : memref<32768xi32, #tpu.memory_space<vmem>> -> memref<2048xi32, #tpu.memory_space<vmem>>
    %dma_wait3A_377 = arith.constant 0 : i32
    %dma_wait3A_378 = tpu.memref_slice %arg2[%dma_wait3A_377] : memref<67108864xf32, #tpu.memory_space<hbm>> -> memref<67108864xf32, #tpu.memory_space<hbm>>
    %dma_wait3A_379 = tpu.memref_slice %arg6[%dma_wait3A_372] : memref<16x!tpu.dma_semaphore, #tpu.memory_space<semaphore_mem>> -> memref<1x!tpu.dma_semaphore, #tpu.memory_space<semaphore_mem>>
    %dma_wait3A_380 = tpu.memref_squeeze %dma_wait3A_379 : memref<1x!tpu.dma_semaphore, #tpu.memory_space<semaphore_mem>> -> memref<!tpu.dma_semaphore, #tpu.memory_space<semaphore_mem>>
    tpu.wait_indirect_dma semaphore(%dma_wait3A_380 : memref<!tpu.dma_semaphore, #tpu.memory_space<semaphore_mem>>) src(%dma_wait3A_378 : memref<67108864xf32, #tpu.memory_space<hbm>>) dst(%dma_wait3A_374 : memref<2048xf32, #tpu.memory_space<vmem>>)
    %add3A_381 = arith.constant 14336 : i32
    %add3A_382 = arith.addi %mul3A_2, %add3A_381 : i32
    %dma_start3A_383 = arith.constant 14336 : i32
    %dma_start3A_384 = tpu.memref_slice %arg5[%dma_start3A_383] : memref<32768xf32, #tpu.memory_space<vmem>> -> memref<2048xf32, #tpu.memory_space<vmem>>
    %dma_start3A_385 = tpu.memref_slice %arg3[%add3A_382] : memref<1048576xf32, #tpu.memory_space<hbm>> -> memref<2048xf32, #tpu.memory_space<hbm>>
    %dma_start3A_386 = tpu.memref_slice %arg3[%add3A_382] : memref<1048576xf32, #tpu.memory_space<hbm>> -> memref<2048xf32, #tpu.memory_space<hbm>>
    %dma_start3A_387 = arith.constant 14336 : i32
    %dma_start3A_388 = tpu.memref_slice %arg5[%dma_start3A_387] : memref<32768xf32, #tpu.memory_space<vmem>> -> memref<2048xf32, #tpu.memory_space<vmem>>
    tpu.enqueue_dma source(%dma_start3A_388 : memref<2048xf32, #tpu.memory_space<vmem>>) target(%dma_start3A_386 : memref<2048xf32, #tpu.memory_space<hbm>>) target_semaphore(%arg7 : memref<!tpu.dma_semaphore, #tpu.memory_space<semaphore_mem>>)
    %dma_wait3A_389 = arith.constant 8 : i32
    %dma_wait3A_390 = arith.constant 16384 : i32
    %dma_wait3A_391 = tpu.memref_slice %arg5[%dma_wait3A_390] : memref<32768xf32, #tpu.memory_space<vmem>> -> memref<2048xf32, #tpu.memory_space<vmem>>
    %dma_wait3A_392 = arith.constant 16384 : i32
    %dma_wait3A_393 = tpu.memref_slice %arg4[%dma_wait3A_392] : memref<32768xi32, #tpu.memory_space<vmem>> -> memref<2048xi32, #tpu.memory_space<vmem>>
    %dma_wait3A_394 = arith.constant 0 : i32
    %dma_wait3A_395 = tpu.memref_slice %arg2[%dma_wait3A_394] : memref<67108864xf32, #tpu.memory_space<hbm>> -> memref<67108864xf32, #tpu.memory_space<hbm>>
    %dma_wait3A_396 = tpu.memref_slice %arg6[%dma_wait3A_389] : memref<16x!tpu.dma_semaphore, #tpu.memory_space<semaphore_mem>> -> memref<1x!tpu.dma_semaphore, #tpu.memory_space<semaphore_mem>>
    %dma_wait3A_397 = tpu.memref_squeeze %dma_wait3A_396 : memref<1x!tpu.dma_semaphore, #tpu.memory_space<semaphore_mem>> -> memref<!tpu.dma_semaphore, #tpu.memory_space<semaphore_mem>>
    tpu.wait_indirect_dma semaphore(%dma_wait3A_397 : memref<!tpu.dma_semaphore, #tpu.memory_space<semaphore_mem>>) src(%dma_wait3A_395 : memref<67108864xf32, #tpu.memory_space<hbm>>) dst(%dma_wait3A_391 : memref<2048xf32, #tpu.memory_space<vmem>>)
    %add3A_398 = arith.constant 16384 : i32
    %add3A_399 = arith.addi %mul3A_2, %add3A_398 : i32
    %dma_start3A_400 = arith.constant 16384 : i32
    %dma_start3A_401 = tpu.memref_slice %arg5[%dma_start3A_400] : memref<32768xf32, #tpu.memory_space<vmem>> -> memref<2048xf32, #tpu.memory_space<vmem>>
    %dma_start3A_402 = tpu.memref_slice %arg3[%add3A_399] : memref<1048576xf32, #tpu.memory_space<hbm>> -> memref<2048xf32, #tpu.memory_space<hbm>>
    %dma_start3A_403 = tpu.memref_slice %arg3[%add3A_399] : memref<1048576xf32, #tpu.memory_space<hbm>> -> memref<2048xf32, #tpu.memory_space<hbm>>
    %dma_start3A_404 = arith.constant 16384 : i32
    %dma_start3A_405 = tpu.memref_slice %arg5[%dma_start3A_404] : memref<32768xf32, #tpu.memory_space<vmem>> -> memref<2048xf32, #tpu.memory_space<vmem>>
    tpu.enqueue_dma source(%dma_start3A_405 : memref<2048xf32, #tpu.memory_space<vmem>>) target(%dma_start3A_403 : memref<2048xf32, #tpu.memory_space<hbm>>) target_semaphore(%arg7 : memref<!tpu.dma_semaphore, #tpu.memory_space<semaphore_mem>>)
    %dma_wait3A_406 = arith.constant 9 : i32
    %dma_wait3A_407 = arith.constant 18432 : i32
    %dma_wait3A_408 = tpu.memref_slice %arg5[%dma_wait3A_407] : memref<32768xf32, #tpu.memory_space<vmem>> -> memref<2048xf32, #tpu.memory_space<vmem>>
    %dma_wait3A_409 = arith.constant 18432 : i32
    %dma_wait3A_410 = tpu.memref_slice %arg4[%dma_wait3A_409] : memref<32768xi32, #tpu.memory_space<vmem>> -> memref<2048xi32, #tpu.memory_space<vmem>>
    %dma_wait3A_411 = arith.constant 0 : i32
    %dma_wait3A_412 = tpu.memref_slice %arg2[%dma_wait3A_411] : memref<67108864xf32, #tpu.memory_space<hbm>> -> memref<67108864xf32, #tpu.memory_space<hbm>>
    %dma_wait3A_413 = tpu.memref_slice %arg6[%dma_wait3A_406] : memref<16x!tpu.dma_semaphore, #tpu.memory_space<semaphore_mem>> -> memref<1x!tpu.dma_semaphore, #tpu.memory_space<semaphore_mem>>
    %dma_wait3A_414 = tpu.memref_squeeze %dma_wait3A_413 : memref<1x!tpu.dma_semaphore, #tpu.memory_space<semaphore_mem>> -> memref<!tpu.dma_semaphore, #tpu.memory_space<semaphore_mem>>
    tpu.wait_indirect_dma semaphore(%dma_wait3A_414 : memref<!tpu.dma_semaphore, #tpu.memory_space<semaphore_mem>>) src(%dma_wait3A_412 : memref<67108864xf32, #tpu.memory_space<hbm>>) dst(%dma_wait3A_408 : memref<2048xf32, #tpu.memory_space<vmem>>)
    %add3A_415 = arith.constant 18432 : i32
    %add3A_416 = arith.addi %mul3A_2, %add3A_415 : i32
    %dma_start3A_417 = arith.constant 18432 : i32
    %dma_start3A_418 = tpu.memref_slice %arg5[%dma_start3A_417] : memref<32768xf32, #tpu.memory_space<vmem>> -> memref<2048xf32, #tpu.memory_space<vmem>>
    %dma_start3A_419 = tpu.memref_slice %arg3[%add3A_416] : memref<1048576xf32, #tpu.memory_space<hbm>> -> memref<2048xf32, #tpu.memory_space<hbm>>
    %dma_start3A_420 = tpu.memref_slice %arg3[%add3A_416] : memref<1048576xf32, #tpu.memory_space<hbm>> -> memref<2048xf32, #tpu.memory_space<hbm>>
    %dma_start3A_421 = arith.constant 18432 : i32
    %dma_start3A_422 = tpu.memref_slice %arg5[%dma_start3A_421] : memref<32768xf32, #tpu.memory_space<vmem>> -> memref<2048xf32, #tpu.memory_space<vmem>>
    tpu.enqueue_dma source(%dma_start3A_422 : memref<2048xf32, #tpu.memory_space<vmem>>) target(%dma_start3A_420 : memref<2048xf32, #tpu.memory_space<hbm>>) target_semaphore(%arg7 : memref<!tpu.dma_semaphore, #tpu.memory_space<semaphore_mem>>)
    %dma_wait3A_423 = arith.constant 10 : i32
    %dma_wait3A_424 = arith.constant 20480 : i32
    %dma_wait3A_425 = tpu.memref_slice %arg5[%dma_wait3A_424] : memref<32768xf32, #tpu.memory_space<vmem>> -> memref<2048xf32, #tpu.memory_space<vmem>>
    %dma_wait3A_426 = arith.constant 20480 : i32
    %dma_wait3A_427 = tpu.memref_slice %arg4[%dma_wait3A_426] : memref<32768xi32, #tpu.memory_space<vmem>> -> memref<2048xi32, #tpu.memory_space<vmem>>
    %dma_wait3A_428 = arith.constant 0 : i32
    %dma_wait3A_429 = tpu.memref_slice %arg2[%dma_wait3A_428] : memref<67108864xf32, #tpu.memory_space<hbm>> -> memref<67108864xf32, #tpu.memory_space<hbm>>
    %dma_wait3A_430 = tpu.memref_slice %arg6[%dma_wait3A_423] : memref<16x!tpu.dma_semaphore, #tpu.memory_space<semaphore_mem>> -> memref<1x!tpu.dma_semaphore, #tpu.memory_space<semaphore_mem>>
    %dma_wait3A_431 = tpu.memref_squeeze %dma_wait3A_430 : memref<1x!tpu.dma_semaphore, #tpu.memory_space<semaphore_mem>> -> memref<!tpu.dma_semaphore, #tpu.memory_space<semaphore_mem>>
    tpu.wait_indirect_dma semaphore(%dma_wait3A_431 : memref<!tpu.dma_semaphore, #tpu.memory_space<semaphore_mem>>) src(%dma_wait3A_429 : memref<67108864xf32, #tpu.memory_space<hbm>>) dst(%dma_wait3A_425 : memref<2048xf32, #tpu.memory_space<vmem>>)
    %add3A_432 = arith.constant 20480 : i32
    %add3A_433 = arith.addi %mul3A_2, %add3A_432 : i32
    %dma_start3A_434 = arith.constant 20480 : i32
    %dma_start3A_435 = tpu.memref_slice %arg5[%dma_start3A_434] : memref<32768xf32, #tpu.memory_space<vmem>> -> memref<2048xf32, #tpu.memory_space<vmem>>
    %dma_start3A_436 = tpu.memref_slice %arg3[%add3A_433] : memref<1048576xf32, #tpu.memory_space<hbm>> -> memref<2048xf32, #tpu.memory_space<hbm>>
    %dma_start3A_437 = tpu.memref_slice %arg3[%add3A_433] : memref<1048576xf32, #tpu.memory_space<hbm>> -> memref<2048xf32, #tpu.memory_space<hbm>>
    %dma_start3A_438 = arith.constant 20480 : i32
    %dma_start3A_439 = tpu.memref_slice %arg5[%dma_start3A_438] : memref<32768xf32, #tpu.memory_space<vmem>> -> memref<2048xf32, #tpu.memory_space<vmem>>
    tpu.enqueue_dma source(%dma_start3A_439 : memref<2048xf32, #tpu.memory_space<vmem>>) target(%dma_start3A_437 : memref<2048xf32, #tpu.memory_space<hbm>>) target_semaphore(%arg7 : memref<!tpu.dma_semaphore, #tpu.memory_space<semaphore_mem>>)
    %dma_wait3A_440 = arith.constant 11 : i32
    %dma_wait3A_441 = arith.constant 22528 : i32
    %dma_wait3A_442 = tpu.memref_slice %arg5[%dma_wait3A_441] : memref<32768xf32, #tpu.memory_space<vmem>> -> memref<2048xf32, #tpu.memory_space<vmem>>
    %dma_wait3A_443 = arith.constant 22528 : i32
    %dma_wait3A_444 = tpu.memref_slice %arg4[%dma_wait3A_443] : memref<32768xi32, #tpu.memory_space<vmem>> -> memref<2048xi32, #tpu.memory_space<vmem>>
    %dma_wait3A_445 = arith.constant 0 : i32
    %dma_wait3A_446 = tpu.memref_slice %arg2[%dma_wait3A_445] : memref<67108864xf32, #tpu.memory_space<hbm>> -> memref<67108864xf32, #tpu.memory_space<hbm>>
    %dma_wait3A_447 = tpu.memref_slice %arg6[%dma_wait3A_440] : memref<16x!tpu.dma_semaphore, #tpu.memory_space<semaphore_mem>> -> memref<1x!tpu.dma_semaphore, #tpu.memory_space<semaphore_mem>>
    %dma_wait3A_448 = tpu.memref_squeeze %dma_wait3A_447 : memref<1x!tpu.dma_semaphore, #tpu.memory_space<semaphore_mem>> -> memref<!tpu.dma_semaphore, #tpu.memory_space<semaphore_mem>>
    tpu.wait_indirect_dma semaphore(%dma_wait3A_448 : memref<!tpu.dma_semaphore, #tpu.memory_space<semaphore_mem>>) src(%dma_wait3A_446 : memref<67108864xf32, #tpu.memory_space<hbm>>) dst(%dma_wait3A_442 : memref<2048xf32, #tpu.memory_space<vmem>>)
    %add3A_449 = arith.constant 22528 : i32
    %add3A_450 = arith.addi %mul3A_2, %add3A_449 : i32
    %dma_start3A_451 = arith.constant 22528 : i32
    %dma_start3A_452 = tpu.memref_slice %arg5[%dma_start3A_451] : memref<32768xf32, #tpu.memory_space<vmem>> -> memref<2048xf32, #tpu.memory_space<vmem>>
    %dma_start3A_453 = tpu.memref_slice %arg3[%add3A_450] : memref<1048576xf32, #tpu.memory_space<hbm>> -> memref<2048xf32, #tpu.memory_space<hbm>>
    %dma_start3A_454 = tpu.memref_slice %arg3[%add3A_450] : memref<1048576xf32, #tpu.memory_space<hbm>> -> memref<2048xf32, #tpu.memory_space<hbm>>
    %dma_start3A_455 = arith.constant 22528 : i32
    %dma_start3A_456 = tpu.memref_slice %arg5[%dma_start3A_455] : memref<32768xf32, #tpu.memory_space<vmem>> -> memref<2048xf32, #tpu.memory_space<vmem>>
    tpu.enqueue_dma source(%dma_start3A_456 : memref<2048xf32, #tpu.memory_space<vmem>>) target(%dma_start3A_454 : memref<2048xf32, #tpu.memory_space<hbm>>) target_semaphore(%arg7 : memref<!tpu.dma_semaphore, #tpu.memory_space<semaphore_mem>>)
    %dma_wait3A_457 = arith.constant 12 : i32
    %dma_wait3A_458 = arith.constant 24576 : i32
    %dma_wait3A_459 = tpu.memref_slice %arg5[%dma_wait3A_458] : memref<32768xf32, #tpu.memory_space<vmem>> -> memref<2048xf32, #tpu.memory_space<vmem>>
    %dma_wait3A_460 = arith.constant 24576 : i32
    %dma_wait3A_461 = tpu.memref_slice %arg4[%dma_wait3A_460] : memref<32768xi32, #tpu.memory_space<vmem>> -> memref<2048xi32, #tpu.memory_space<vmem>>
    %dma_wait3A_462 = arith.constant 0 : i32
    %dma_wait3A_463 = tpu.memref_slice %arg2[%dma_wait3A_462] : memref<67108864xf32, #tpu.memory_space<hbm>> -> memref<67108864xf32, #tpu.memory_space<hbm>>
    %dma_wait3A_464 = tpu.memref_slice %arg6[%dma_wait3A_457] : memref<16x!tpu.dma_semaphore, #tpu.memory_space<semaphore_mem>> -> memref<1x!tpu.dma_semaphore, #tpu.memory_space<semaphore_mem>>
    %dma_wait3A_465 = tpu.memref_squeeze %dma_wait3A_464 : memref<1x!tpu.dma_semaphore, #tpu.memory_space<semaphore_mem>> -> memref<!tpu.dma_semaphore, #tpu.memory_space<semaphore_mem>>
    tpu.wait_indirect_dma semaphore(%dma_wait3A_465 : memref<!tpu.dma_semaphore, #tpu.memory_space<semaphore_mem>>) src(%dma_wait3A_463 : memref<67108864xf32, #tpu.memory_space<hbm>>) dst(%dma_wait3A_459 : memref<2048xf32, #tpu.memory_space<vmem>>)
    %add3A_466 = arith.constant 24576 : i32
    %add3A_467 = arith.addi %mul3A_2, %add3A_466 : i32
    %dma_start3A_468 = arith.constant 24576 : i32
    %dma_start3A_469 = tpu.memref_slice %arg5[%dma_start3A_468] : memref<32768xf32, #tpu.memory_space<vmem>> -> memref<2048xf32, #tpu.memory_space<vmem>>
    %dma_start3A_470 = tpu.memref_slice %arg3[%add3A_467] : memref<1048576xf32, #tpu.memory_space<hbm>> -> memref<2048xf32, #tpu.memory_space<hbm>>
    %dma_start3A_471 = tpu.memref_slice %arg3[%add3A_467] : memref<1048576xf32, #tpu.memory_space<hbm>> -> memref<2048xf32, #tpu.memory_space<hbm>>
    %dma_start3A_472 = arith.constant 24576 : i32
    %dma_start3A_473 = tpu.memref_slice %arg5[%dma_start3A_472] : memref<32768xf32, #tpu.memory_space<vmem>> -> memref<2048xf32, #tpu.memory_space<vmem>>
    tpu.enqueue_dma source(%dma_start3A_473 : memref<2048xf32, #tpu.memory_space<vmem>>) target(%dma_start3A_471 : memref<2048xf32, #tpu.memory_space<hbm>>) target_semaphore(%arg7 : memref<!tpu.dma_semaphore, #tpu.memory_space<semaphore_mem>>)
    %dma_wait3A_474 = arith.constant 13 : i32
    %dma_wait3A_475 = arith.constant 26624 : i32
    %dma_wait3A_476 = tpu.memref_slice %arg5[%dma_wait3A_475] : memref<32768xf32, #tpu.memory_space<vmem>> -> memref<2048xf32, #tpu.memory_space<vmem>>
    %dma_wait3A_477 = arith.constant 26624 : i32
    %dma_wait3A_478 = tpu.memref_slice %arg4[%dma_wait3A_477] : memref<32768xi32, #tpu.memory_space<vmem>> -> memref<2048xi32, #tpu.memory_space<vmem>>
    %dma_wait3A_479 = arith.constant 0 : i32
    %dma_wait3A_480 = tpu.memref_slice %arg2[%dma_wait3A_479] : memref<67108864xf32, #tpu.memory_space<hbm>> -> memref<67108864xf32, #tpu.memory_space<hbm>>
    %dma_wait3A_481 = tpu.memref_slice %arg6[%dma_wait3A_474] : memref<16x!tpu.dma_semaphore, #tpu.memory_space<semaphore_mem>> -> memref<1x!tpu.dma_semaphore, #tpu.memory_space<semaphore_mem>>
    %dma_wait3A_482 = tpu.memref_squeeze %dma_wait3A_481 : memref<1x!tpu.dma_semaphore, #tpu.memory_space<semaphore_mem>> -> memref<!tpu.dma_semaphore, #tpu.memory_space<semaphore_mem>>
    tpu.wait_indirect_dma semaphore(%dma_wait3A_482 : memref<!tpu.dma_semaphore, #tpu.memory_space<semaphore_mem>>) src(%dma_wait3A_480 : memref<67108864xf32, #tpu.memory_space<hbm>>) dst(%dma_wait3A_476 : memref<2048xf32, #tpu.memory_space<vmem>>)
    %add3A_483 = arith.constant 26624 : i32
    %add3A_484 = arith.addi %mul3A_2, %add3A_483 : i32
    %dma_start3A_485 = arith.constant 26624 : i32
    %dma_start3A_486 = tpu.memref_slice %arg5[%dma_start3A_485] : memref<32768xf32, #tpu.memory_space<vmem>> -> memref<2048xf32, #tpu.memory_space<vmem>>
    %dma_start3A_487 = tpu.memref_slice %arg3[%add3A_484] : memref<1048576xf32, #tpu.memory_space<hbm>> -> memref<2048xf32, #tpu.memory_space<hbm>>
    %dma_start3A_488 = tpu.memref_slice %arg3[%add3A_484] : memref<1048576xf32, #tpu.memory_space<hbm>> -> memref<2048xf32, #tpu.memory_space<hbm>>
    %dma_start3A_489 = arith.constant 26624 : i32
    %dma_start3A_490 = tpu.memref_slice %arg5[%dma_start3A_489] : memref<32768xf32, #tpu.memory_space<vmem>> -> memref<2048xf32, #tpu.memory_space<vmem>>
    tpu.enqueue_dma source(%dma_start3A_490 : memref<2048xf32, #tpu.memory_space<vmem>>) target(%dma_start3A_488 : memref<2048xf32, #tpu.memory_space<hbm>>) target_semaphore(%arg7 : memref<!tpu.dma_semaphore, #tpu.memory_space<semaphore_mem>>)
    %dma_wait3A_491 = arith.constant 14 : i32
    %dma_wait3A_492 = arith.constant 28672 : i32
    %dma_wait3A_493 = tpu.memref_slice %arg5[%dma_wait3A_492] : memref<32768xf32, #tpu.memory_space<vmem>> -> memref<2048xf32, #tpu.memory_space<vmem>>
    %dma_wait3A_494 = arith.constant 28672 : i32
    %dma_wait3A_495 = tpu.memref_slice %arg4[%dma_wait3A_494] : memref<32768xi32, #tpu.memory_space<vmem>> -> memref<2048xi32, #tpu.memory_space<vmem>>
    %dma_wait3A_496 = arith.constant 0 : i32
    %dma_wait3A_497 = tpu.memref_slice %arg2[%dma_wait3A_496] : memref<67108864xf32, #tpu.memory_space<hbm>> -> memref<67108864xf32, #tpu.memory_space<hbm>>
    %dma_wait3A_498 = tpu.memref_slice %arg6[%dma_wait3A_491] : memref<16x!tpu.dma_semaphore, #tpu.memory_space<semaphore_mem>> -> memref<1x!tpu.dma_semaphore, #tpu.memory_space<semaphore_mem>>
    %dma_wait3A_499 = tpu.memref_squeeze %dma_wait3A_498 : memref<1x!tpu.dma_semaphore, #tpu.memory_space<semaphore_mem>> -> memref<!tpu.dma_semaphore, #tpu.memory_space<semaphore_mem>>
    tpu.wait_indirect_dma semaphore(%dma_wait3A_499 : memref<!tpu.dma_semaphore, #tpu.memory_space<semaphore_mem>>) src(%dma_wait3A_497 : memref<67108864xf32, #tpu.memory_space<hbm>>) dst(%dma_wait3A_493 : memref<2048xf32, #tpu.memory_space<vmem>>)
    %add3A_500 = arith.constant 28672 : i32
    %add3A_501 = arith.addi %mul3A_2, %add3A_500 : i32
    %dma_start3A_502 = arith.constant 28672 : i32
    %dma_start3A_503 = tpu.memref_slice %arg5[%dma_start3A_502] : memref<32768xf32, #tpu.memory_space<vmem>> -> memref<2048xf32, #tpu.memory_space<vmem>>
    %dma_start3A_504 = tpu.memref_slice %arg3[%add3A_501] : memref<1048576xf32, #tpu.memory_space<hbm>> -> memref<2048xf32, #tpu.memory_space<hbm>>
    %dma_start3A_505 = tpu.memref_slice %arg3[%add3A_501] : memref<1048576xf32, #tpu.memory_space<hbm>> -> memref<2048xf32, #tpu.memory_space<hbm>>
    %dma_start3A_506 = arith.constant 28672 : i32
    %dma_start3A_507 = tpu.memref_slice %arg5[%dma_start3A_506] : memref<32768xf32, #tpu.memory_space<vmem>> -> memref<2048xf32, #tpu.memory_space<vmem>>
    tpu.enqueue_dma source(%dma_start3A_507 : memref<2048xf32, #tpu.memory_space<vmem>>) target(%dma_start3A_505 : memref<2048xf32, #tpu.memory_space<hbm>>) target_semaphore(%arg7 : memref<!tpu.dma_semaphore, #tpu.memory_space<semaphore_mem>>)
    %dma_wait3A_508 = arith.constant 15 : i32
    %dma_wait3A_509 = arith.constant 30720 : i32
    %dma_wait3A_510 = tpu.memref_slice %arg5[%dma_wait3A_509] : memref<32768xf32, #tpu.memory_space<vmem>> -> memref<2048xf32, #tpu.memory_space<vmem>>
    %dma_wait3A_511 = arith.constant 30720 : i32
    %dma_wait3A_512 = tpu.memref_slice %arg4[%dma_wait3A_511] : memref<32768xi32, #tpu.memory_space<vmem>> -> memref<2048xi32, #tpu.memory_space<vmem>>
    %dma_wait3A_513 = arith.constant 0 : i32
    %dma_wait3A_514 = tpu.memref_slice %arg2[%dma_wait3A_513] : memref<67108864xf32, #tpu.memory_space<hbm>> -> memref<67108864xf32, #tpu.memory_space<hbm>>
    %dma_wait3A_515 = tpu.memref_slice %arg6[%dma_wait3A_508] : memref<16x!tpu.dma_semaphore, #tpu.memory_space<semaphore_mem>> -> memref<1x!tpu.dma_semaphore, #tpu.memory_space<semaphore_mem>>
    %dma_wait3A_516 = tpu.memref_squeeze %dma_wait3A_515 : memref<1x!tpu.dma_semaphore, #tpu.memory_space<semaphore_mem>> -> memref<!tpu.dma_semaphore, #tpu.memory_space<semaphore_mem>>
    tpu.wait_indirect_dma semaphore(%dma_wait3A_516 : memref<!tpu.dma_semaphore, #tpu.memory_space<semaphore_mem>>) src(%dma_wait3A_514 : memref<67108864xf32, #tpu.memory_space<hbm>>) dst(%dma_wait3A_510 : memref<2048xf32, #tpu.memory_space<vmem>>)
    %add3A_517 = arith.constant 30720 : i32
    %add3A_518 = arith.addi %mul3A_2, %add3A_517 : i32
    %dma_start3A_519 = arith.constant 30720 : i32
    %dma_start3A_520 = tpu.memref_slice %arg5[%dma_start3A_519] : memref<32768xf32, #tpu.memory_space<vmem>> -> memref<2048xf32, #tpu.memory_space<vmem>>
    %dma_start3A_521 = tpu.memref_slice %arg3[%add3A_518] : memref<1048576xf32, #tpu.memory_space<hbm>> -> memref<2048xf32, #tpu.memory_space<hbm>>
    %dma_start3A_522 = tpu.memref_slice %arg3[%add3A_518] : memref<1048576xf32, #tpu.memory_space<hbm>> -> memref<2048xf32, #tpu.memory_space<hbm>>
    %dma_start3A_523 = arith.constant 30720 : i32
    %dma_start3A_524 = tpu.memref_slice %arg5[%dma_start3A_523] : memref<32768xf32, #tpu.memory_space<vmem>> -> memref<2048xf32, #tpu.memory_space<vmem>>
    tpu.enqueue_dma source(%dma_start3A_524 : memref<2048xf32, #tpu.memory_space<vmem>>) target(%dma_start3A_522 : memref<2048xf32, #tpu.memory_space<hbm>>) target_semaphore(%arg7 : memref<!tpu.dma_semaphore, #tpu.memory_space<semaphore_mem>>)
    %dma_wait3A_525 = arith.constant 0 : i32
    %dma_wait3A_526 = tpu.memref_slice %arg5[%dma_wait3A_525] : memref<32768xf32, #tpu.memory_space<vmem>> -> memref<2048xf32, #tpu.memory_space<vmem>>
    %dma_wait3A_527 = tpu.memref_slice %arg3[%add3A_263] : memref<1048576xf32, #tpu.memory_space<hbm>> -> memref<2048xf32, #tpu.memory_space<hbm>>
    %dma_wait3A_528 = tpu.memref_slice %arg3[%add3A_263] : memref<1048576xf32, #tpu.memory_space<hbm>> -> memref<2048xf32, #tpu.memory_space<hbm>>
    %dma_wait3A_529 = arith.constant 0 : i32
    %dma_wait3A_530 = tpu.memref_slice %arg5[%dma_wait3A_529] : memref<32768xf32, #tpu.memory_space<vmem>> -> memref<2048xf32, #tpu.memory_space<vmem>>
    tpu.wait_dma2 semaphore(%arg7 : memref<!tpu.dma_semaphore, #tpu.memory_space<semaphore_mem>>) src(%dma_wait3A_530 : memref<2048xf32, #tpu.memory_space<vmem>>) dst(%dma_wait3A_528 : memref<2048xf32, #tpu.memory_space<hbm>>)
    %dma_wait3A_531 = arith.constant 2048 : i32
    %dma_wait3A_532 = tpu.memref_slice %arg5[%dma_wait3A_531] : memref<32768xf32, #tpu.memory_space<vmem>> -> memref<2048xf32, #tpu.memory_space<vmem>>
    %dma_wait3A_533 = tpu.memref_slice %arg3[%add3A_280] : memref<1048576xf32, #tpu.memory_space<hbm>> -> memref<2048xf32, #tpu.memory_space<hbm>>
    %dma_wait3A_534 = tpu.memref_slice %arg3[%add3A_280] : memref<1048576xf32, #tpu.memory_space<hbm>> -> memref<2048xf32, #tpu.memory_space<hbm>>
    %dma_wait3A_535 = arith.constant 2048 : i32
    %dma_wait3A_536 = tpu.memref_slice %arg5[%dma_wait3A_535] : memref<32768xf32, #tpu.memory_space<vmem>> -> memref<2048xf32, #tpu.memory_space<vmem>>
    tpu.wait_dma2 semaphore(%arg7 : memref<!tpu.dma_semaphore, #tpu.memory_space<semaphore_mem>>) src(%dma_wait3A_536 : memref<2048xf32, #tpu.memory_space<vmem>>) dst(%dma_wait3A_534 : memref<2048xf32, #tpu.memory_space<hbm>>)
    %dma_wait3A_537 = arith.constant 4096 : i32
    %dma_wait3A_538 = tpu.memref_slice %arg5[%dma_wait3A_537] : memref<32768xf32, #tpu.memory_space<vmem>> -> memref<2048xf32, #tpu.memory_space<vmem>>
    %dma_wait3A_539 = tpu.memref_slice %arg3[%add3A_297] : memref<1048576xf32, #tpu.memory_space<hbm>> -> memref<2048xf32, #tpu.memory_space<hbm>>
    %dma_wait3A_540 = tpu.memref_slice %arg3[%add3A_297] : memref<1048576xf32, #tpu.memory_space<hbm>> -> memref<2048xf32, #tpu.memory_space<hbm>>
    %dma_wait3A_541 = arith.constant 4096 : i32
    %dma_wait3A_542 = tpu.memref_slice %arg5[%dma_wait3A_541] : memref<32768xf32, #tpu.memory_space<vmem>> -> memref<2048xf32, #tpu.memory_space<vmem>>
    tpu.wait_dma2 semaphore(%arg7 : memref<!tpu.dma_semaphore, #tpu.memory_space<semaphore_mem>>) src(%dma_wait3A_542 : memref<2048xf32, #tpu.memory_space<vmem>>) dst(%dma_wait3A_540 : memref<2048xf32, #tpu.memory_space<hbm>>)
    %dma_wait3A_543 = arith.constant 6144 : i32
    %dma_wait3A_544 = tpu.memref_slice %arg5[%dma_wait3A_543] : memref<32768xf32, #tpu.memory_space<vmem>> -> memref<2048xf32, #tpu.memory_space<vmem>>
    %dma_wait3A_545 = tpu.memref_slice %arg3[%add3A_314] : memref<1048576xf32, #tpu.memory_space<hbm>> -> memref<2048xf32, #tpu.memory_space<hbm>>
    %dma_wait3A_546 = tpu.memref_slice %arg3[%add3A_314] : memref<1048576xf32, #tpu.memory_space<hbm>> -> memref<2048xf32, #tpu.memory_space<hbm>>
    %dma_wait3A_547 = arith.constant 6144 : i32
    %dma_wait3A_548 = tpu.memref_slice %arg5[%dma_wait3A_547] : memref<32768xf32, #tpu.memory_space<vmem>> -> memref<2048xf32, #tpu.memory_space<vmem>>
    tpu.wait_dma2 semaphore(%arg7 : memref<!tpu.dma_semaphore, #tpu.memory_space<semaphore_mem>>) src(%dma_wait3A_548 : memref<2048xf32, #tpu.memory_space<vmem>>) dst(%dma_wait3A_546 : memref<2048xf32, #tpu.memory_space<hbm>>)
    %dma_wait3A_549 = arith.constant 8192 : i32
    %dma_wait3A_550 = tpu.memref_slice %arg5[%dma_wait3A_549] : memref<32768xf32, #tpu.memory_space<vmem>> -> memref<2048xf32, #tpu.memory_space<vmem>>
    %dma_wait3A_551 = tpu.memref_slice %arg3[%add3A_331] : memref<1048576xf32, #tpu.memory_space<hbm>> -> memref<2048xf32, #tpu.memory_space<hbm>>
    %dma_wait3A_552 = tpu.memref_slice %arg3[%add3A_331] : memref<1048576xf32, #tpu.memory_space<hbm>> -> memref<2048xf32, #tpu.memory_space<hbm>>
    %dma_wait3A_553 = arith.constant 8192 : i32
    %dma_wait3A_554 = tpu.memref_slice %arg5[%dma_wait3A_553] : memref<32768xf32, #tpu.memory_space<vmem>> -> memref<2048xf32, #tpu.memory_space<vmem>>
    tpu.wait_dma2 semaphore(%arg7 : memref<!tpu.dma_semaphore, #tpu.memory_space<semaphore_mem>>) src(%dma_wait3A_554 : memref<2048xf32, #tpu.memory_space<vmem>>) dst(%dma_wait3A_552 : memref<2048xf32, #tpu.memory_space<hbm>>)
    %dma_wait3A_555 = arith.constant 10240 : i32
    %dma_wait3A_556 = tpu.memref_slice %arg5[%dma_wait3A_555] : memref<32768xf32, #tpu.memory_space<vmem>> -> memref<2048xf32, #tpu.memory_space<vmem>>
    %dma_wait3A_557 = tpu.memref_slice %arg3[%add3A_348] : memref<1048576xf32, #tpu.memory_space<hbm>> -> memref<2048xf32, #tpu.memory_space<hbm>>
    %dma_wait3A_558 = tpu.memref_slice %arg3[%add3A_348] : memref<1048576xf32, #tpu.memory_space<hbm>> -> memref<2048xf32, #tpu.memory_space<hbm>>
    %dma_wait3A_559 = arith.constant 10240 : i32
    %dma_wait3A_560 = tpu.memref_slice %arg5[%dma_wait3A_559] : memref<32768xf32, #tpu.memory_space<vmem>> -> memref<2048xf32, #tpu.memory_space<vmem>>
    tpu.wait_dma2 semaphore(%arg7 : memref<!tpu.dma_semaphore, #tpu.memory_space<semaphore_mem>>) src(%dma_wait3A_560 : memref<2048xf32, #tpu.memory_space<vmem>>) dst(%dma_wait3A_558 : memref<2048xf32, #tpu.memory_space<hbm>>)
    %dma_wait3A_561 = arith.constant 12288 : i32
    %dma_wait3A_562 = tpu.memref_slice %arg5[%dma_wait3A_561] : memref<32768xf32, #tpu.memory_space<vmem>> -> memref<2048xf32, #tpu.memory_space<vmem>>
    %dma_wait3A_563 = tpu.memref_slice %arg3[%add3A_365] : memref<1048576xf32, #tpu.memory_space<hbm>> -> memref<2048xf32, #tpu.memory_space<hbm>>
    %dma_wait3A_564 = tpu.memref_slice %arg3[%add3A_365] : memref<1048576xf32, #tpu.memory_space<hbm>> -> memref<2048xf32, #tpu.memory_space<hbm>>
    %dma_wait3A_565 = arith.constant 12288 : i32
    %dma_wait3A_566 = tpu.memref_slice %arg5[%dma_wait3A_565] : memref<32768xf32, #tpu.memory_space<vmem>> -> memref<2048xf32, #tpu.memory_space<vmem>>
    tpu.wait_dma2 semaphore(%arg7 : memref<!tpu.dma_semaphore, #tpu.memory_space<semaphore_mem>>) src(%dma_wait3A_566 : memref<2048xf32, #tpu.memory_space<vmem>>) dst(%dma_wait3A_564 : memref<2048xf32, #tpu.memory_space<hbm>>)
    %dma_wait3A_567 = arith.constant 14336 : i32
    %dma_wait3A_568 = tpu.memref_slice %arg5[%dma_wait3A_567] : memref<32768xf32, #tpu.memory_space<vmem>> -> memref<2048xf32, #tpu.memory_space<vmem>>
    %dma_wait3A_569 = tpu.memref_slice %arg3[%add3A_382] : memref<1048576xf32, #tpu.memory_space<hbm>> -> memref<2048xf32, #tpu.memory_space<hbm>>
    %dma_wait3A_570 = tpu.memref_slice %arg3[%add3A_382] : memref<1048576xf32, #tpu.memory_space<hbm>> -> memref<2048xf32, #tpu.memory_space<hbm>>
    %dma_wait3A_571 = arith.constant 14336 : i32
    %dma_wait3A_572 = tpu.memref_slice %arg5[%dma_wait3A_571] : memref<32768xf32, #tpu.memory_space<vmem>> -> memref<2048xf32, #tpu.memory_space<vmem>>
    tpu.wait_dma2 semaphore(%arg7 : memref<!tpu.dma_semaphore, #tpu.memory_space<semaphore_mem>>) src(%dma_wait3A_572 : memref<2048xf32, #tpu.memory_space<vmem>>) dst(%dma_wait3A_570 : memref<2048xf32, #tpu.memory_space<hbm>>)
    %dma_wait3A_573 = arith.constant 16384 : i32
    %dma_wait3A_574 = tpu.memref_slice %arg5[%dma_wait3A_573] : memref<32768xf32, #tpu.memory_space<vmem>> -> memref<2048xf32, #tpu.memory_space<vmem>>
    %dma_wait3A_575 = tpu.memref_slice %arg3[%add3A_399] : memref<1048576xf32, #tpu.memory_space<hbm>> -> memref<2048xf32, #tpu.memory_space<hbm>>
    %dma_wait3A_576 = tpu.memref_slice %arg3[%add3A_399] : memref<1048576xf32, #tpu.memory_space<hbm>> -> memref<2048xf32, #tpu.memory_space<hbm>>
    %dma_wait3A_577 = arith.constant 16384 : i32
    %dma_wait3A_578 = tpu.memref_slice %arg5[%dma_wait3A_577] : memref<32768xf32, #tpu.memory_space<vmem>> -> memref<2048xf32, #tpu.memory_space<vmem>>
    tpu.wait_dma2 semaphore(%arg7 : memref<!tpu.dma_semaphore, #tpu.memory_space<semaphore_mem>>) src(%dma_wait3A_578 : memref<2048xf32, #tpu.memory_space<vmem>>) dst(%dma_wait3A_576 : memref<2048xf32, #tpu.memory_space<hbm>>)
    %dma_wait3A_579 = arith.constant 18432 : i32
    %dma_wait3A_580 = tpu.memref_slice %arg5[%dma_wait3A_579] : memref<32768xf32, #tpu.memory_space<vmem>> -> memref<2048xf32, #tpu.memory_space<vmem>>
    %dma_wait3A_581 = tpu.memref_slice %arg3[%add3A_416] : memref<1048576xf32, #tpu.memory_space<hbm>> -> memref<2048xf32, #tpu.memory_space<hbm>>
    %dma_wait3A_582 = tpu.memref_slice %arg3[%add3A_416] : memref<1048576xf32, #tpu.memory_space<hbm>> -> memref<2048xf32, #tpu.memory_space<hbm>>
    %dma_wait3A_583 = arith.constant 18432 : i32
    %dma_wait3A_584 = tpu.memref_slice %arg5[%dma_wait3A_583] : memref<32768xf32, #tpu.memory_space<vmem>> -> memref<2048xf32, #tpu.memory_space<vmem>>
    tpu.wait_dma2 semaphore(%arg7 : memref<!tpu.dma_semaphore, #tpu.memory_space<semaphore_mem>>) src(%dma_wait3A_584 : memref<2048xf32, #tpu.memory_space<vmem>>) dst(%dma_wait3A_582 : memref<2048xf32, #tpu.memory_space<hbm>>)
    %dma_wait3A_585 = arith.constant 20480 : i32
    %dma_wait3A_586 = tpu.memref_slice %arg5[%dma_wait3A_585] : memref<32768xf32, #tpu.memory_space<vmem>> -> memref<2048xf32, #tpu.memory_space<vmem>>
    %dma_wait3A_587 = tpu.memref_slice %arg3[%add3A_433] : memref<1048576xf32, #tpu.memory_space<hbm>> -> memref<2048xf32, #tpu.memory_space<hbm>>
    %dma_wait3A_588 = tpu.memref_slice %arg3[%add3A_433] : memref<1048576xf32, #tpu.memory_space<hbm>> -> memref<2048xf32, #tpu.memory_space<hbm>>
    %dma_wait3A_589 = arith.constant 20480 : i32
    %dma_wait3A_590 = tpu.memref_slice %arg5[%dma_wait3A_589] : memref<32768xf32, #tpu.memory_space<vmem>> -> memref<2048xf32, #tpu.memory_space<vmem>>
    tpu.wait_dma2 semaphore(%arg7 : memref<!tpu.dma_semaphore, #tpu.memory_space<semaphore_mem>>) src(%dma_wait3A_590 : memref<2048xf32, #tpu.memory_space<vmem>>) dst(%dma_wait3A_588 : memref<2048xf32, #tpu.memory_space<hbm>>)
    %dma_wait3A_591 = arith.constant 22528 : i32
    %dma_wait3A_592 = tpu.memref_slice %arg5[%dma_wait3A_591] : memref<32768xf32, #tpu.memory_space<vmem>> -> memref<2048xf32, #tpu.memory_space<vmem>>
    %dma_wait3A_593 = tpu.memref_slice %arg3[%add3A_450] : memref<1048576xf32, #tpu.memory_space<hbm>> -> memref<2048xf32, #tpu.memory_space<hbm>>
    %dma_wait3A_594 = tpu.memref_slice %arg3[%add3A_450] : memref<1048576xf32, #tpu.memory_space<hbm>> -> memref<2048xf32, #tpu.memory_space<hbm>>
    %dma_wait3A_595 = arith.constant 22528 : i32
    %dma_wait3A_596 = tpu.memref_slice %arg5[%dma_wait3A_595] : memref<32768xf32, #tpu.memory_space<vmem>> -> memref<2048xf32, #tpu.memory_space<vmem>>
    tpu.wait_dma2 semaphore(%arg7 : memref<!tpu.dma_semaphore, #tpu.memory_space<semaphore_mem>>) src(%dma_wait3A_596 : memref<2048xf32, #tpu.memory_space<vmem>>) dst(%dma_wait3A_594 : memref<2048xf32, #tpu.memory_space<hbm>>)
    %dma_wait3A_597 = arith.constant 24576 : i32
    %dma_wait3A_598 = tpu.memref_slice %arg5[%dma_wait3A_597] : memref<32768xf32, #tpu.memory_space<vmem>> -> memref<2048xf32, #tpu.memory_space<vmem>>
    %dma_wait3A_599 = tpu.memref_slice %arg3[%add3A_467] : memref<1048576xf32, #tpu.memory_space<hbm>> -> memref<2048xf32, #tpu.memory_space<hbm>>
    %dma_wait3A_600 = tpu.memref_slice %arg3[%add3A_467] : memref<1048576xf32, #tpu.memory_space<hbm>> -> memref<2048xf32, #tpu.memory_space<hbm>>
    %dma_wait3A_601 = arith.constant 24576 : i32
    %dma_wait3A_602 = tpu.memref_slice %arg5[%dma_wait3A_601] : memref<32768xf32, #tpu.memory_space<vmem>> -> memref<2048xf32, #tpu.memory_space<vmem>>
    tpu.wait_dma2 semaphore(%arg7 : memref<!tpu.dma_semaphore, #tpu.memory_space<semaphore_mem>>) src(%dma_wait3A_602 : memref<2048xf32, #tpu.memory_space<vmem>>) dst(%dma_wait3A_600 : memref<2048xf32, #tpu.memory_space<hbm>>)
    %dma_wait3A_603 = arith.constant 26624 : i32
    %dma_wait3A_604 = tpu.memref_slice %arg5[%dma_wait3A_603] : memref<32768xf32, #tpu.memory_space<vmem>> -> memref<2048xf32, #tpu.memory_space<vmem>>
    %dma_wait3A_605 = tpu.memref_slice %arg3[%add3A_484] : memref<1048576xf32, #tpu.memory_space<hbm>> -> memref<2048xf32, #tpu.memory_space<hbm>>
    %dma_wait3A_606 = tpu.memref_slice %arg3[%add3A_484] : memref<1048576xf32, #tpu.memory_space<hbm>> -> memref<2048xf32, #tpu.memory_space<hbm>>
    %dma_wait3A_607 = arith.constant 26624 : i32
    %dma_wait3A_608 = tpu.memref_slice %arg5[%dma_wait3A_607] : memref<32768xf32, #tpu.memory_space<vmem>> -> memref<2048xf32, #tpu.memory_space<vmem>>
    tpu.wait_dma2 semaphore(%arg7 : memref<!tpu.dma_semaphore, #tpu.memory_space<semaphore_mem>>) src(%dma_wait3A_608 : memref<2048xf32, #tpu.memory_space<vmem>>) dst(%dma_wait3A_606 : memref<2048xf32, #tpu.memory_space<hbm>>)
    %dma_wait3A_609 = arith.constant 28672 : i32
    %dma_wait3A_610 = tpu.memref_slice %arg5[%dma_wait3A_609] : memref<32768xf32, #tpu.memory_space<vmem>> -> memref<2048xf32, #tpu.memory_space<vmem>>
    %dma_wait3A_611 = tpu.memref_slice %arg3[%add3A_501] : memref<1048576xf32, #tpu.memory_space<hbm>> -> memref<2048xf32, #tpu.memory_space<hbm>>
    %dma_wait3A_612 = tpu.memref_slice %arg3[%add3A_501] : memref<1048576xf32, #tpu.memory_space<hbm>> -> memref<2048xf32, #tpu.memory_space<hbm>>
    %dma_wait3A_613 = arith.constant 28672 : i32
    %dma_wait3A_614 = tpu.memref_slice %arg5[%dma_wait3A_613] : memref<32768xf32, #tpu.memory_space<vmem>> -> memref<2048xf32, #tpu.memory_space<vmem>>
    tpu.wait_dma2 semaphore(%arg7 : memref<!tpu.dma_semaphore, #tpu.memory_space<semaphore_mem>>) src(%dma_wait3A_614 : memref<2048xf32, #tpu.memory_space<vmem>>) dst(%dma_wait3A_612 : memref<2048xf32, #tpu.memory_space<hbm>>)
    %dma_wait3A_615 = arith.constant 30720 : i32
    %dma_wait3A_616 = tpu.memref_slice %arg5[%dma_wait3A_615] : memref<32768xf32, #tpu.memory_space<vmem>> -> memref<2048xf32, #tpu.memory_space<vmem>>
    %dma_wait3A_617 = tpu.memref_slice %arg3[%add3A_518] : memref<1048576xf32, #tpu.memory_space<hbm>> -> memref<2048xf32, #tpu.memory_space<hbm>>
    %dma_wait3A_618 = tpu.memref_slice %arg3[%add3A_518] : memref<1048576xf32, #tpu.memory_space<hbm>> -> memref<2048xf32, #tpu.memory_space<hbm>>
    %dma_wait3A_619 = arith.constant 30720 : i32
    %dma_wait3A_620 = tpu.memref_slice %arg5[%dma_wait3A_619] : memref<32768xf32, #tpu.memory_space<vmem>> -> memref<2048xf32, #tpu.memory_space<vmem>>
    tpu.wait_dma2 semaphore(%arg7 : memref<!tpu.dma_semaphore, #tpu.memory_space<semaphore_mem>>) src(%dma_wait3A_620 : memref<2048xf32, #tpu.memory_space<vmem>>) dst(%dma_wait3A_618 : memref<2048xf32, #tpu.memory_space<hbm>>)
    return
  }
}

</mosaic_0001>

<sc_bundles>
// kernel: kernel.3.cloned.1.call-start
scs
__scs_entry_jumppad:
0x0: {  	(pc) =	sbr.rel $0x88, $3  }
0x1: {  	(tag) =	ssettag $0x0;
	lr =	simm.s32 $0x1  }
0x2: {  	[smem:$0x3FA0] =	sst lr;
	_ =	strace $0xD0000000  }
0x3: {  	_ = 	snop  }
0x4: {  	_ = 	snop  }
0x5: {  	_ = 	snop  }
0x6: {  	_ = 	snop  }
0x7: {  	_ = 	snop  }
__scs_overlays_trampoline_lowered:
0x8: {  	[smem:$0x3FAF] =	sst s0  }
0x9: {  	[smem:$0x3FB0] =	sst s1  }
0xa: {  	[smem:$0x3FB1] =	sst s2  }
0xb: {  	[smem:$0x3FB2] =	sst s3  }
0xc: {  	[smem:$0x3FB3] =	sst s4  }
0xd: {  	[smem:$0x3FB4] =	sst s5  }
0xe: {  	[smem:$0x3FB5] =	sst s6  }
0xf: {  	[smem:$0x3FB6] =	sst s7  }
0x10: {  	[smem:$0x3FB7] =	sst s8  }
0x11: {  	[smem:$0x3FB8] =	sst s9;
	s0 =	simm.s32 @!p0 $0x0  }
0x12: {  	s1 =	sld [smem:$0x3F9E];
	s0 =	simm.s32 @p0 $0x1  }
0x13: {  	[smem:$0x3FB9] =	sst s0;
	s0 =	simm.s32 @!p1 $0x0  }
0x14: {  	s2 =	sld [smem:$0x3F9D];
	s0 =	simm.s32 @p1 $0x1  }
0x15: {  	[smem:$0x3FBA] =	sst s0;
	s0 =	simm.s32 @!p2 $0x0  }
0x16: {  	s3 =	sld [smem:$0x3FDB];
	s0 =	simm.s32 @p2 $0x1  }
0x17: {  	s4 =	simm.s32 $0x1BF5;
	[smem:$0x3FBC] =	sst s0  }
0x18: {  	s0 =	sld [smem:$0x3F9F];
	_ =	swait.ge [sflag:s4], $0x0  }
0x19: {  	s7 =	sld [smem:$0x3FA0]  }
0x1a: {  	s8 =	sadd.s32 $0xFFFFE003, lr  }
0x1b: {  	s9 =	sadd.s32 $0xFFFFFEF7, lr;
	s5 =	simm.s32 $0xFFFFFFFF;
	p2 =	slt.u32 s8, $0xFFFFF086  }
0x1c: {  	p1 =	slt.u32 s9, $0xF7A;
	s5 =	simm.s32 @!p2 $0x0  }
0x1d: {  	s5 =	simm.s32 @p1 $0x1;
	p0 =	seq.s32 s7, s2  }
0x1e: {  	s7 =	smul.u32 @!p0 $0xF7A, s2;
	p2 =	seq.s32 @!p0 s5, $0x0  }
0x1f: {  	s9 =	smul.u32 $0xF7A, s1;
	s8 =	simm.s32 @!p0 $0x1BF5;
	p2 =	por !p2, p0  }
0x20: {  	[sflag:s8] =	ssyncset.s32 @!p0 $0xFFFFF086;
	s6 =	sadd.s32 @!p0 s3, s7;
	s7 =	simm.s32 @!p0 $0x108  }
0x21: {  	s3 =	sadd.s32 s3, s9;
	s6 =	sadd.s32 @!p0 $0x88, s6;
	s7 =	simm.s32 @p2 $0x1082  }
0x22: {  	[simem:s7], [sflag:s8] =	dma.local @!p0 [hbm:s6], $0xF7A  }
0x23: {  	s9 =	sor.u32 $0xD0000000, s2;
	s6 =	simm.s32 $0x108;
	_ =	swait.ge @!p0 [sflag:s8], $0x0  }
0x24: {  	s3 =	sadd.s32 $0x88, s3;
	s6 =	simm.s32 @!p1 $0x1082;
	[sflag:s4] =	ssyncset.s32 $0xFFFFF086  }
0x25: {  	[simem:s6], [sflag:s4] =	dma.local [hbm:s3], $0xF7A  }
0x26: {  	[smem:$0x3FA0] =	sst s1;
	(tag) =	ssettag s2;
	_ =	strace s9  }
0x27: {  	s1 =	sld [smem:$0x3FB0]  }
0x28: {  	s2 =	sld [smem:$0x3FB1]  }
0x29: {  	s4 =	sld [smem:$0x3FB3]  }
0x2a: {  	p0 =	seq.s32 s5, $0x0;
	s5 =	sld [smem:$0x3FB4]  }
0x2b: {  	s6 =	sld [smem:$0x3FB5]  }
0x2c: {  	s7 =	sld [smem:$0x3FB6]  }
0x2d: {  	s3 =	simm.s32 $0x108;
	s8 =	sld [smem:$0x3FB7]  }
0x2e: {  	s3 =	simm.s32 @!p0 $0x1082;
	s9 =	sld [smem:$0x3FB8]  }
0x2f: {  	lr =	sadd.s32 s0, s3;
	s0 =	sld [smem:$0x3FAF]  }
0x30: {  	s3 =	sld [smem:$0x3FB2]  }
0x31: {  	[smem:$0x3FBB] =	sst s10  }
0x32: {  	s10 =	sld [smem:$0x3FB9];
	_ =	sdelay $0x3  }
0x33: {  	p0 =	seq.s32 s10, $0x1;
	s10 =	sld [smem:$0x3FBB];
	_ =	sdelay $0x3  }
0x34: {  	[smem:$0x3FBB] =	sst s10  }
0x35: {  	s10 =	sld [smem:$0x3FBA];
	_ =	sdelay $0x3  }
0x36: {  	p1 =	seq.s32 s10, $0x1;
	s10 =	sld [smem:$0x3FBB];
	_ =	sdelay $0x3  }
0x37: {  	[smem:$0x3FBB] =	sst s10  }
0x38: {  	s10 =	sld [smem:$0x3FBC]  }
0x39: {  	_ = 	snop;
	(pc) =	sbr.ind lr, $3  }
0x3a: {  	_ = 	snop  }
0x3b: {  	_ = 	snop  }
0x3c: {  	p2 =	seq.s32 s10, $0x1;
	s10 =	sld [smem:$0x3FBB]  }
0x3d: {  	_ =	shalt  }
0x3e: {  	_ =	shalt  }
0x3f: {  	_ =	shalt  }
0x40: {  	_ =	shalt  }
0x41: {  	_ =	shalt  }
0x42: {  	_ =	shalt  }
0x43: {  	_ =	shalt  }
0x44: {  	_ =	shalt  }
0x45: {  	_ =	shalt  }
0x46: {  	_ =	shalt  }
0x47: {  	_ =	shalt  }
0x48: {  	_ =	shalt  }
0x49: {  	_ =	shalt  }
0x4a: {  	_ =	shalt  }
0x4b: {  	_ =	shalt  }
0x4c: {  	_ =	shalt  }
0x4d: {  	_ =	shalt  }
0x4e: {  	_ =	shalt  }
0x4f: {  	_ =	shalt  }
0x50: {  	_ =	shalt  }
0x51: {  	_ =	shalt  }
0x52: {  	_ =	shalt  }
0x53: {  	_ =	shalt  }
0x54: {  	_ =	shalt  }
0x55: {  	_ =	shalt  }
0x56: {  	_ =	shalt  }
0x57: {  	_ =	shalt  }
0x58: {  	_ =	shalt  }
0x59: {  	_ =	shalt  }
0x5a: {  	_ =	shalt  }
0x5b: {  	_ =	shalt  }
0x5c: {  	_ =	shalt  }
0x5d: {  	_ =	shalt  }
0x5e: {  	_ =	shalt  }
0x5f: {  	_ =	shalt  }
0x60: {  	_ =	shalt  }
0x61: {  	_ =	shalt  }
0x62: {  	_ =	shalt  }
0x63: {  	_ =	shalt  }
0x64: {  	_ =	shalt  }
0x65: {  	_ =	shalt  }
0x66: {  	_ =	shalt  }
0x67: {  	_ =	shalt  }
0x68: {  	_ =	shalt  }
0x69: {  	_ =	shalt  }
0x6a: {  	_ =	shalt  }
0x6b: {  	_ =	shalt  }
0x6c: {  	_ =	shalt  }
0x6d: {  	_ =	shalt  }
0x6e: {  	_ =	shalt  }
0x6f: {  	_ =	shalt  }
0x70: {  	_ =	shalt  }
0x71: {  	_ =	shalt  }
0x72: {  	_ =	shalt  }
0x73: {  	_ =	shalt  }
0x74: {  	_ =	shalt  }
0x75: {  	_ =	shalt  }
0x76: {  	_ =	shalt  }
0x77: {  	_ =	shalt  }
0x78: {  	_ =	shalt  }
0x79: {  	_ =	shalt  }
0x7a: {  	_ =	shalt  }
0x7b: {  	_ =	shalt  }
0x7c: {  	_ =	shalt  }
0x7d: {  	_ =	shalt  }
0x7e: {  	_ =	shalt  }
0x7f: {  	_ =	shalt  }
0x80: {  	_ =	shalt  }
0x81: {  	_ =	shalt  }
0x82: {  	_ =	shalt  }
0x83: {  	_ =	shalt  }
0x84: {  	_ =	shalt  }
0x85: {  	_ =	shalt  }
0x86: {  	_ =	shalt  }
0x87: {  	_ =	shalt  }
.Lfunc_end0:
.L_simem_size_0:
called_computation_lowered:
.L_overlay_start_0:
0x88: {  	s2 =	sld [smem:$0x3FD9]  }
0x89: {  	s3 =	sld [smem:$0x3FFE];
	_ =	sdelay $0x1  }
0x8a: {  	s1 =	srdreg.scid  }
0x8b: {  	s0 =	sand.u32 $0x1, s1  }
0x8c: {  	s18 =	sshll.u32 s0, $0xA;
	s2 =	sadd.s32 s3, s2  }
0x8d: {  	s2 =	sadd.s32 s2, s18  }
0x8e: {  	[smem:$0x3FC7] =	sst s2  }
0x8f: {  	_ = 	snop  }
0x90: {  	s2 =	sld [smem:$0x3FC9]  }
0x91: {  	s19 =	sld [smem:$0x3FD0];
	(tm) =	ssettm $0x1  }
0x92: {  	s4 =	sld [smem:$0x3FFB];
	_ =	sdelay $0x3  }
0x93: {  	_ =	strace s4  }
0x94: {  	s4 =	sld [smem:$0x3FFC];
	_ =	sdelay $0x3  }
0x95: {  	_ =	strace s4  }
0x96: {  	s4 =	sld [smem:$0x3FFD];
	_ =	sdelay $0x3  }
0x97: {  	_ =	strace s4  }
0x98: {  	_ =	strace $0x8FFFFFFF  }
0x99: {  	s20 =	sld [smem:$0x3FDB];
	_ =	sdelay $0x1  }
0x9a: {  	s5 =	simm.s32 $_scs_section_size  }
0x9b: {  	s6 =	simm.s32 $_size__tile_overlayer_lowered;
	s7 =	simm.s32 $_tile_overlayer_lowered  }
0x9c: {  	s23 =	simm.s32 $0x1BFF;
	s22 =	sshll.u32 s7, $0x1;
	s4 =	sadd.s32 s5, s20  }
0x9d: {  	s8 =	simm.s32 $0x0;
	s21 =	sshll.u32 s6, $0x1;
	s6 =	sadd.s32 s22, s4  }
0x9e: {  	[timem:s8], [sflag:s23] =	dma.local [hbm:s6], s21  }
0x9f: {  	_ =	swait.ge [sflag:s23], s21  }
0xa0: {  	s5 =	ssub.s32 $0x0, s21;
	[sflag:s23] =	ssyncset.done $0x0  }
0xa1: {  	[sflag:s23] =	ssyncadd.s32 s5;
	_ =	sdelay $0x1  }
0xa2: {  	s24 =	simm.s32 $0x1B8B  }
0xa3: {  	_ =	swait.ge [sflag:s24], $0x1  }
0xa4: {  	[sflag:s24] =	ssyncset.done $0x0  }
0xa5: {  	s25 =	simm.s32 $0x1B8E;
	[sflag:s24] =	ssyncadd.s32 $0xFFFFFFFF  }
0xa6: {  	s26 =	simm.s32 $execute0_lowered;
	[smem:$0x3FD2] =	sst s25  }
0xa7: {  	s5 =	sshll.u32 s26, $0x1;
	_ =	strace $0x80000046;
	[dreg:$0x1] =	wrdreg $0xFFFFFFFF  }
0xa8: {  	s28 =	simm.s32 $_size_execute0_lowered;
	s4 =	sadd.s32 s4, s5;
	[dreg:$0x0] =	wrdreg $0x0  }
0xa9: {  	s5 =	sshll.u32 s28, $0x1;
	[dreg:$0x2] =	wrdreg s4  }
0xaa: {  	[dreg:$0x3] =	wrdreg s5  }
0xab: {  	[dreg:$0x4] =	wrdreg $0xC0  }
0xac: {  	_ =	task [dreg:s8], $0x5FFFF  }
0xad: {  	[dreg:$0x1] =	wrdreg $0xFFFFFFFF  }
0xae: {  	[dreg:$0x0] =	wrdreg $0x60  }
0xaf: {  	[dreg:$0x2] =	wrdreg s2  }
0xb0: {  	[dreg:$0x3] =	wrdreg s19  }
0xb1: {  	[dreg:$0x4] =	wrdreg $0x9  }
0xb2: {  	_ =	task.clear_ibuf [dreg:s8], $0x5FFFF;
	_ =	strace $0x90000046  }
0xb3: {  	s29 =	simm.s32 $0x9;
	_ =	strace $0x80000048  }
0xb4: {  	_ =	swait.ge [sflag:s29], $0x1  }
0xb5: {  	[sflag:s29] =	ssyncadd.s32 $0xFFFFFFFF  }
0xb6: {  	_ =	strace $0x90000048  }
0xb7: {  	_ =	sfence  }
0xb8: {  	s30 =	sld [smem:$0x0];
	_ =	sdelay $0x2  }
0xb9: {  	s31 =	sshll.u32 s1, $0xD;
	s1 =	sshrl.u32 s1, $0x2  }
0xba: {  	s3 =	sand.u32 $0x4000, s31;
	s1 =	sadd.s32 s1, s30  }
0xbb: {  	s0 =	sor.u32 s3, s0;
	s1 =	sshll.u32 s1, $0x11  }
0xbc: {  	s0 =	sor.u32 s1, s0  }
0xbd: {  	s0 =	sadd.s32 $0x8F2B, s0  }
0xbe: {  	[sflag:s0] =	ssyncadd.remote.s32 $0x1  }
0xbf: {  	_ =	sfence.sel $0xFFFF  }
0xc0: {  	[dreg:$0x0] =	wrdreg $0xFFFFFFFF;
	(pc) =	sbr.abs _section_cstart, $3  }
0xc1: {  	[dreg:$0x1] =	wrdreg $0xFFFFFFFF  }
0xc2: {  	_ =	task.clear_ibuf [dreg:s8], $0x2FFFF;
	_ =	strace $0x9FFFFFFF  }
0xc3: {  	(tm) =	ssettm $0x7FFFFFFF  }
tec
execute0_lowered:
.L_overlay_start_1:
0x0: {  	(tag) =	ssettag $0x1  }
0x1: {  	s1 =	srdreg.scid  }
0x2: {  	s2 =	rddreg [dreg:$0x0];
	s8 =	stileid.u32;
	s1 =	sand.u32 $0x1, s1  }
0x3: {  	s0 =	rddreg [dreg:$0x1];
	s4 =	sshll.u32 s8, $0x10;
	s5 =	sshll.u32 s1, $0xF  }
0x4: {  	s3 =	simm.s32 $0x0;
	s6 =	ssub.s32 $0x2, s1;
	s4 =	sor.u32 s5, s4  }
0x5: {  	[smem:$0x7FF] =	sst s3;
	s15 =	sshrl.u32 s6, $0x1;
	s7 =	sshrl.u32 s4, $0x3  }
0x6: {  	_ =	strace $0x80000047;
	s5 =	ssub.s32 s6, s15;
	s0 =	sadd.s32 s0, s7  }
0x7: {  	s28 =	sor.u32 $0x1800, s4;
	s5 =	smax.u32 s5, $0x1;
	[dreg:$0x3] =	wrdreg s0  }
0x8: {  	s31 =	sor.u32 $0x2000, s4;
	s14 =	sshll.u32 s28, $0x9;
	[dreg:$0x13] =	wrdreg s5  }
0x9: {  	s15 =	sshll.u32 s31, $0x9;
	[dreg:$0x17] =	wrdreg s14  }
0xa: {  	s7 =	sadd.s32 $0x100, s0;
	[dreg:$0x18] =	wrdreg s15  }
0xb: {  	s17 =	sadd.s32 $0x200, s0;
	[dreg:$0x4] =	wrdreg s7  }
0xc: {  	s18 =	sadd.s32 $0x300, s0;
	[dreg:$0x5] =	wrdreg s17  }
0xd: {  	s19 =	sadd.s32 $0x400, s0;
	[dreg:$0x6] =	wrdreg s18  }
0xe: {  	s20 =	sadd.s32 $0x500, s0;
	[dreg:$0x7] =	wrdreg s19  }
0xf: {  	s21 =	sadd.s32 $0x600, s0;
	[dreg:$0x8] =	wrdreg s20  }
0x10: {  	s22 =	sadd.s32 $0x700, s0;
	[dreg:$0x9] =	wrdreg s21  }
0x11: {  	s23 =	sadd.s32 $0x800, s0;
	[dreg:$0xa] =	wrdreg s22  }
0x12: {  	s24 =	sadd.s32 $0x900, s0;
	[dreg:$0xb] =	wrdreg s23  }
0x13: {  	s25 =	sadd.s32 $0xA00, s0;
	[dreg:$0xc] =	wrdreg s24  }
0x14: {  	s26 =	sadd.s32 $0xB00, s0;
	[dreg:$0xd] =	wrdreg s25  }
0x15: {  	s29 =	sadd.s32 $0xC00, s0;
	[dreg:$0xe] =	wrdreg s26  }
0x16: {  	s16 =	sshll.u32 s8, $0xB;
	s9 =	sadd.s32 $0xD00, s0;
	[dreg:$0xf] =	wrdreg s29  }
0x17: {  	s11 =	sshll.u32 s8, $0x19;
	s10 =	sadd.s32 $0xE00, s0;
	[dreg:$0x10] =	wrdreg s9  }
0x18: {  	v0 =	vimm.s32 $0x8387;
	vm0 =	vcmask $0x300;
	s8 =	simm.s32 $0x11;
	s0 =	sadd.s32 $0xF00, s0;
	[dreg:$0x11] =	wrdreg s10  }
0x19: {  	vm14 =	vcmask $0x704;
	v0 =	vsel vm0, $0x7, v0;
	s1 =	sshll.u32 s1, $0x18;
	s6 =	sand.u32 $0x7000, s16;
	[dreg:$0x12] =	wrdreg s0  }
0x1a: {  	vm15 =	vcmask $0xB08;
	v0 =	vsel vm14, $0x87, v0;
	s0 =	sor.u32 s1, s11;
	s24 =	sor.u32 $0x800, s4;
	s26 =	sor.u32 $0x1000, s4  }
0x1b: {  	vm4 =	vcmask $0xF0C;
	v0 =	vsel vm15, $0x107, v0;
	s1 =	sor.u32 $0x2800, s4;
	[dreg:$0x14] =	wrdreg s0;
	s12 =	sshll.u32 s24, $0x9  }
0x1c: {  	vm5 =	vcmask $0x1310;
	v0 =	vsel vm4, $0x187, v0;
	s7 =	sor.u32 $0x3000, s4;
	s13 =	sshll.u32 s26, $0x9;
	[dreg:$0x15] =	wrdreg s12  }
0x1d: {  	vm6 =	vcmask $0x1714;
	v0 =	vsel vm5, $0x207, v0;
	s10 =	sor.u32 $0x3800, s4;
	s16 =	sshll.u32 s1, $0x9;
	[dreg:$0x16] =	wrdreg s13  }
0x1e: {  	vm7 =	vcmask $0x1B18;
	v0 =	vsel vm6, $0x287, v0;
	s9 =	simm.s32 $0x0;
	s17 =	sshll.u32 s7, $0x9;
	[dreg:$0x19] =	wrdreg s16  }
0x1f: {  	vm8 =	vcmask $0x1F1C;
	v0 =	vsel vm7, $0x307, v0;
	s18 =	sshll.u32 s10, $0x9;
	[dreg:$0x1a] =	wrdreg s17;
	s12 =	sor.u32 $0x4000, s4  }
0x20: {  	vm9 =	vcmask $0x2320;
	v0 =	vsel vm8, $0x387, v0;
	[dreg:$0x1b] =	wrdreg s18;
	s13 =	sor.u32 $0x4800, s4;
	s19 =	sshll.u32 s12, $0x9  }
0x21: {  	vm10 =	vcmask $0x2724;
	s16 =	sor.u32 $0x5000, s4;
	v0 =	vsel vm9, $0x8007, v0;
	s20 =	sshll.u32 s13, $0x9;
	[dreg:$0x1c] =	wrdreg s19  }
0x22: {  	vm11 =	vcmask $0x2B28;
	s18 =	sor.u32 $0x5800, s4;
	s21 =	sshll.u32 s16, $0x9;
	v0 =	vsel vm10, $0x8087, v0;
	[dreg:$0x1d] =	wrdreg s20  }
0x23: {  	vm12 =	vcmask $0x2F2C;
	s22 =	sshll.u32 s18, $0x9;
	[dreg:$0x1e] =	wrdreg s21;
	s19 =	sor.u32 $0x6000, s4;
	v0 =	vsel vm11, $0x8107, v0  }
0x24: {  	vm13 =	vcmask $0x3330;
	[dreg:$0x1f] =	wrdreg s22;
	s22 =	sor.u32 $0x6800, s4;
	s23 =	sshll.u32 s19, $0x9;
	v0 =	vsel vm12, $0x8187, v0  }
0x25: {  	vm14 =	vcmask $0x3734;
	s25 =	sshll.u32 s22, $0x9;
	[smem:$0x7FB] =	sst s23;
	s23 =	sor.u32 $0x7000, s4;
	v0 =	vsel vm13, $0x8207, v0  }
0x26: {  	vm15 =	vcmask $0x3B38;
	[smem:$0x7FC] =	sst s25;
	s25 =	sor.u32 $0x7800, s4;
	s29 =	sshll.u32 s23, $0x9;
	v0 =	vsel vm14, $0x8287, v0  }
0x27: {  	s0 =	simm.s32 $0x800;
	s30 =	sshll.u32 s25, $0x9;
	[smem:$0x7FD] =	sst s29;
	v0 =	vsel vm15, $0x8307, v0  }
.LBB2_1:
0x28: {  	s5 =	rddreg [dreg:$0x14];
	s14 =	sand.u32 $0x70000, s3  }
0x29: {  	s15 =	sshll.u32 s4, $0x2;
	s17 =	simm.s32 $0x10000;
	s20 =	sshrl.u32 s4, $0x1  }
0x2a: {  	s11 =	sand.u32 $0x3080000, s5;
	s15 =	sand.u32 $0xC00, s15;
	s21 =	sadd.s32 $0x2000, s5  }
0x2b: {  	s17 =	sand.u32 $0x70000, s17;
	s11 =	sor.u32 s11, s14;
	s14 =	sand.u32 $0x40, s20  }
0x2c: {  	s20 =	sand.u32 $0x3080000, s21;
	s11 =	sor.u32 s15, s11;
	s15 =	sadd.s32 $0x10, s4  }
0x2d: {  	s17 =	sor.u32 s20, s17;
	s29 =	sshll.u32 s15, $0x2  }
0x2e: {  	s11 =	sor.u32 s14, s11;
	s5 =	sand.u32 $0xC00, s29;
	s29 =	sshrl.u32 s15, $0x1  }
0x2f: {  	s11 =	sor.u32 s6, s11;
	s29 =	sand.u32 $0x40, s29;
	s5 =	sor.u32 s5, s17  }
0x30: {  	s14 =	simm.s32 $0x0;
	s15 =	sadd.s32 $0x10, s15;
	v1 =	vor.u32 s11, v0;
	s5 =	sor.u32 s29, s5  }
0x31: {  	s11 =	simm.s32 $0x20000;
	s17 =	sadd.s32 $0x2000, s21;
	[tilespmem:s3+$0x0] =	vst v1;
	s20 =	sor.u32 s6, s5  }
.LBB2_2:
0x32: {  	s5 =	sand.u32 $0x3080000, s17  }
0x33: {  	s21 =	sand.u32 $0x70000, s11;
	v1 =	vor.u32 s20, v0;
	s14 =	sadd.s32 $0x10, s14;
	p0 =	sne.s32 s11, $0x7F0000  }
.Ltmp0:
0x34: {  	s20 =	sshll.u32 s15, $0x2;
	s11 =	sadd.s32 $0x10000, s11;
	[tilespmem:s14+$0x0] =	vst v1;
	(pc) =	sbr.rel @p0 .LBB2_2-.Ltmp0, $4  }
0x35: {  	s29 =	sshrl.u32 s15, $0x1;
	s20 =	sand.u32 $0xC00, s20;
	s5 =	sor.u32 s5, s21  }
0x36: {  	s21 =	sand.u32 $0x40, s29;
	s5 =	sor.u32 s20, s5  }
0x37: {  	s5 =	sor.u32 s21, s5  }
0x38: {  	s15 =	sadd.s32 $0x10, s15;
	s17 =	sadd.s32 $0x2000, s17;
	s20 =	sor.u32 s6, s5  }
0x39: {  	s5 =	sadd.s32 $0x10, s14;
	s11 =	simm.s32 $0x800  }
0x3a: {  	v1 =	vor.u32 s20, v0;
	s17 =	simm.s32 $0x0;
	s21 =	simm.s32 $0x8000;
	s20 =	rddreg [dreg:$0x15]  }
0x3b: {  	s15 =	sshll.u32 s24, $0x2;
	[tilespmem:s5+$0x0] =	vst v1;
	s29 =	sand.u32 $0x3180000, s20;
	s5 =	sand.u32 $0x70000, s17  }
0x3c: {  	[tilespmem:s21], [sflag:$0x1] =	stream.indirect.gather [hbm4b:s2+s11], $0x1, s17, s11, $0xb8;
	[tilespmem:$0x10000] =	vst v63  }
0x3d: {  	s15 =	sand.u32 $0xC00, s15;
	s17 =	sshrl.u32 s24, $0x1;
	s5 =	sor.u32 s29, s5  }
0x3e: {  	s21 =	simm.s32 $0x10000;
	s17 =	sand.u32 $0x40, s17;
	s5 =	sor.u32 s15, s5  }
0x3f: {  	s15 =	sadd.s32 $0x10, s24;
	s5 =	sor.u32 s17, s5;
	s17 =	sadd.s32 $0x2000, s20  }
0x40: {  	s14 =	sand.u32 $0x70000, s21;
	s21 =	sshll.u32 s15, $0x2;
	s20 =	sand.u32 $0x3180000, s17  }
0x41: {  	s29 =	sshrl.u32 s15, $0x1;
	s21 =	sand.u32 $0xC00, s21;
	s14 =	sor.u32 s20, s14  }
0x42: {  	s5 =	sor.u32 s6, s5;
	s29 =	sand.u32 $0x40, s29;
	s21 =	sor.u32 s21, s14  }
0x43: {  	s15 =	sadd.s32 $0x10, s15;
	v1 =	vor.u32 s5, v0;
	s29 =	sor.u32 s29, s21  }
0x44: {  	s17 =	sadd.s32 $0x2000, s17;
	s14 =	simm.s32 $0x20000;
	[tilespmem:s11+$0x0] =	vst v1;
	s20 =	sor.u32 s6, s29  }
.LBB2_4:
0x45: {  	s5 =	sand.u32 $0x3180000, s17  }
0x46: {  	s21 =	sand.u32 $0x70000, s14;
	v1 =	vor.u32 s20, v0;
	s11 =	sadd.s32 $0x10, s11;
	p0 =	sne.s32 s14, $0x7F0000  }
.Ltmp1:
0x47: {  	s20 =	sshll.u32 s15, $0x2;
	s14 =	sadd.s32 $0x10000, s14;
	[tilespmem:s11+$0x0] =	vst v1;
	(pc) =	sbr.rel @p0 .LBB2_4-.Ltmp1, $4  }
0x48: {  	s29 =	sshrl.u32 s15, $0x1;
	s20 =	sand.u32 $0xC00, s20;
	s5 =	sor.u32 s5, s21  }
0x49: {  	s21 =	sand.u32 $0x40, s29;
	s5 =	sor.u32 s20, s5  }
0x4a: {  	s5 =	sor.u32 s21, s5  }
0x4b: {  	s15 =	sadd.s32 $0x10, s15;
	s17 =	sadd.s32 $0x2000, s17;
	s20 =	sor.u32 s6, s5  }
0x4c: {  	v1 =	vor.u32 s20, v0;
	s5 =	sadd.s32 $0x10, s11  }
0x4d: {  	s14 =	simm.s32 $0x8800;
	s15 =	simm.s32 $0x0;
	s17 =	rddreg [dreg:$0x16];
	[tilespmem:s5+$0x0] =	vst v1  }
0x4e: {  	[tilespmem:s14], [sflag:$0x2] =	stream.indirect.gather [hbm4b:s2+s0], $0x1, s0, s0, $0xb8;
	[tilespmem:$0x10000] =	vst v63  }
0x4f: {  	s20 =	sand.u32 $0x3280000, s17;
	s5 =	sand.u32 $0x70000, s15;
	s14 =	sshll.u32 s26, $0x2  }
0x50: {  	s15 =	sshrl.u32 s26, $0x1;
	s5 =	sor.u32 s20, s5;
	s14 =	sand.u32 $0xC00, s14  }
0x51: {  	s21 =	simm.s32 $0x10000;
	s15 =	sand.u32 $0x40, s15;
	s5 =	sor.u32 s14, s5  }
0x52: {  	s17 =	sadd.s32 $0x2000, s17;
	s5 =	sor.u32 s15, s5;
	s15 =	sadd.s32 $0x10, s26  }
0x53: {  	s11 =	sand.u32 $0x70000, s21;
	s29 =	sand.u32 $0x3280000, s17;
	s21 =	sshll.u32 s15, $0x2  }
0x54: {  	s11 =	sor.u32 s29, s11;
	s20 =	sand.u32 $0xC00, s21;
	s21 =	sshrl.u32 s15, $0x1  }
0x55: {  	s5 =	sor.u32 s6, s5;
	s21 =	sand.u32 $0x40, s21;
	s20 =	sor.u32 s20, s11  }
0x56: {  	s17 =	sadd.s32 $0x2000, s17;
	v1 =	vor.u32 s5, v0;
	s11 =	simm.s32 $0x1000;
	s29 =	sor.u32 s21, s20  }
0x57: {  	s14 =	simm.s32 $0x20000;
	s15 =	sadd.s32 $0x10, s15;
	[tilespmem:s11+$0x0] =	vst v1;
	s20 =	sor.u32 s6, s29  }
.LBB2_6:
0x58: {  	s5 =	sand.u32 $0x3280000, s17  }
0x59: {  	s21 =	sand.u32 $0x70000, s14;
	v1 =	vor.u32 s20, v0;
	s11 =	sadd.s32 $0x10, s11;
	p0 =	sne.s32 s14, $0x7F0000  }
.Ltmp2:
0x5a: {  	s20 =	sshll.u32 s15, $0x2;
	s14 =	sadd.s32 $0x10000, s14;
	[tilespmem:s11+$0x0] =	vst v1;
	(pc) =	sbr.rel @p0 .LBB2_6-.Ltmp2, $4  }
0x5b: {  	s29 =	sshrl.u32 s15, $0x1;
	s20 =	sand.u32 $0xC00, s20;
	s5 =	sor.u32 s5, s21  }
0x5c: {  	s21 =	sand.u32 $0x40, s29;
	s5 =	sor.u32 s20, s5  }
0x5d: {  	s5 =	sor.u32 s21, s5  }
0x5e: {  	s15 =	sadd.s32 $0x10, s15;
	s17 =	sadd.s32 $0x2000, s17;
	s20 =	sor.u32 s6, s5  }
0x5f: {  	v1 =	vor.u32 s20, v0;
	s5 =	sadd.s32 $0x10, s11;
	s11 =	simm.s32 $0x1000  }
0x60: {  	s14 =	simm.s32 $0x9000;
	s15 =	simm.s32 $0x0;
	s17 =	rddreg [dreg:$0x17];
	[tilespmem:s5+$0x0] =	vst v1  }
0x61: {  	[tilespmem:s14], [sflag:$0x3] =	stream.indirect.gather [hbm4b:s2+s0], $0x1, s11, s0, $0xb8;
	[tilespmem:$0x10000] =	vst v63  }
0x62: {  	s20 =	sand.u32 $0x3380000, s17;
	s5 =	sand.u32 $0x70000, s15;
	s14 =	sshll.u32 s28, $0x2  }
0x63: {  	s15 =	sshrl.u32 s28, $0x1;
	s5 =	sor.u32 s20, s5;
	s14 =	sand.u32 $0xC00, s14  }
0x64: {  	s21 =	simm.s32 $0x10000;
	s15 =	sand.u32 $0x40, s15;
	s5 =	sor.u32 s14, s5  }
0x65: {  	s17 =	sadd.s32 $0x2000, s17;
	s5 =	sor.u32 s15, s5;
	s15 =	sadd.s32 $0x10, s28  }
0x66: {  	s29 =	sand.u32 $0x3380000, s17;
	s11 =	sand.u32 $0x70000, s21;
	s21 =	sshll.u32 s15, $0x2  }
0x67: {  	s11 =	sor.u32 s29, s11;
	s20 =	sand.u32 $0xC00, s21;
	s21 =	sshrl.u32 s15, $0x1  }
0x68: {  	s5 =	sor.u32 s6, s5;
	s21 =	sand.u32 $0x40, s21;
	s20 =	sor.u32 s20, s11  }
0x69: {  	s17 =	sadd.s32 $0x2000, s17;
	v1 =	vor.u32 s5, v0;
	s11 =	simm.s32 $0x1800;
	s29 =	sor.u32 s21, s20  }
0x6a: {  	s14 =	simm.s32 $0x20000;
	s15 =	sadd.s32 $0x10, s15;
	[tilespmem:s11+$0x0] =	vst v1;
	s20 =	sor.u32 s6, s29  }
.LBB2_8:
0x6b: {  	s5 =	sand.u32 $0x3380000, s17  }
0x6c: {  	s21 =	sand.u32 $0x70000, s14;
	v1 =	vor.u32 s20, v0;
	s11 =	sadd.s32 $0x10, s11;
	p0 =	sne.s32 s14, $0x7F0000  }
.Ltmp3:
0x6d: {  	s20 =	sshll.u32 s15, $0x2;
	s14 =	sadd.s32 $0x10000, s14;
	[tilespmem:s11+$0x0] =	vst v1;
	(pc) =	sbr.rel @p0 .LBB2_8-.Ltmp3, $4  }
0x6e: {  	s29 =	sshrl.u32 s15, $0x1;
	s20 =	sand.u32 $0xC00, s20;
	s5 =	sor.u32 s5, s21  }
0x6f: {  	s21 =	sand.u32 $0x40, s29;
	s5 =	sor.u32 s20, s5  }
0x70: {  	s5 =	sor.u32 s21, s5  }
0x71: {  	s15 =	sadd.s32 $0x10, s15;
	s17 =	sadd.s32 $0x2000, s17;
	s20 =	sor.u32 s6, s5  }
0x72: {  	v1 =	vor.u32 s20, v0;
	s5 =	sadd.s32 $0x10, s11;
	s11 =	simm.s32 $0x1800  }
0x73: {  	s14 =	simm.s32 $0x9800;
	s15 =	simm.s32 $0x0;
	s17 =	rddreg [dreg:$0x18];
	[tilespmem:s5+$0x0] =	vst v1  }
0x74: {  	[tilespmem:s14], [sflag:$0x4] =	stream.indirect.gather [hbm4b:s2+s0], $0x1, s11, s0, $0xb8;
	[tilespmem:$0x10000] =	vst v63  }
0x75: {  	s20 =	sand.u32 $0x3480000, s17;
	s5 =	sand.u32 $0x70000, s15;
	s14 =	sshll.u32 s31, $0x2  }
0x76: {  	s15 =	sshrl.u32 s31, $0x1;
	s5 =	sor.u32 s20, s5;
	s14 =	sand.u32 $0xC00, s14  }
0x77: {  	s21 =	simm.s32 $0x10000;
	s15 =	sand.u32 $0x40, s15;
	s5 =	sor.u32 s14, s5  }
0x78: {  	s17 =	sadd.s32 $0x2000, s17;
	s5 =	sor.u32 s15, s5;
	s15 =	sadd.s32 $0x10, s31  }
0x79: {  	s29 =	sand.u32 $0x3480000, s17;
	s11 =	sand.u32 $0x70000, s21;
	s21 =	sshll.u32 s15, $0x2  }
0x7a: {  	s11 =	sor.u32 s29, s11;
	s20 =	sand.u32 $0xC00, s21;
	s21 =	sshrl.u32 s15, $0x1  }
0x7b: {  	s5 =	sor.u32 s6, s5;
	s21 =	sand.u32 $0x40, s21;
	s20 =	sor.u32 s20, s11  }
0x7c: {  	s17 =	sadd.s32 $0x2000, s17;
	v1 =	vor.u32 s5, v0;
	s11 =	simm.s32 $0x2000;
	s29 =	sor.u32 s21, s20  }
0x7d: {  	s14 =	simm.s32 $0x20000;
	s15 =	sadd.s32 $0x10, s15;
	[tilespmem:s11+$0x0] =	vst v1;
	s20 =	sor.u32 s6, s29  }
.LBB2_10:
0x7e: {  	s5 =	sand.u32 $0x3480000, s17  }
0x7f: {  	s21 =	sand.u32 $0x70000, s14;
	v1 =	vor.u32 s20, v0;
	s11 =	sadd.s32 $0x10, s11;
	p0 =	sne.s32 s14, $0x7F0000  }
.Ltmp4:
0x80: {  	s20 =	sshll.u32 s15, $0x2;
	s14 =	sadd.s32 $0x10000, s14;
	[tilespmem:s11+$0x0] =	vst v1;
	(pc) =	sbr.rel @p0 .LBB2_10-.Ltmp4, $4  }
0x81: {  	s29 =	sshrl.u32 s15, $0x1;
	s20 =	sand.u32 $0xC00, s20;
	s5 =	sor.u32 s5, s21  }
0x82: {  	s21 =	sand.u32 $0x40, s29;
	s5 =	sor.u32 s20, s5  }
0x83: {  	s5 =	sor.u32 s21, s5  }
0x84: {  	s15 =	sadd.s32 $0x10, s15;
	s17 =	sadd.s32 $0x2000, s17;
	s20 =	sor.u32 s6, s5  }
0x85: {  	v1 =	vor.u32 s20, v0;
	s5 =	sadd.s32 $0x10, s11;
	s11 =	simm.s32 $0x2000  }
0x86: {  	s14 =	simm.s32 $0xA000;
	s15 =	simm.s32 $0x0;
	s17 =	rddreg [dreg:$0x19];
	[tilespmem:s5+$0x0] =	vst v1  }
0x87: {  	[tilespmem:s14], [sflag:$0x5] =	stream.indirect.gather [hbm4b:s2+s0], $0x1, s11, s0, $0xb8;
	[tilespmem:$0x10000] =	vst v63  }
0x88: {  	s20 =	sand.u32 $0x3580000, s17;
	s5 =	sand.u32 $0x70000, s15;
	s14 =	sshll.u32 s1, $0x2  }
0x89: {  	s15 =	sshrl.u32 s1, $0x1;
	s5 =	sor.u32 s20, s5;
	s14 =	sand.u32 $0xC00, s14  }
0x8a: {  	s21 =	simm.s32 $0x10000;
	s15 =	sand.u32 $0x40, s15;
	s5 =	sor.u32 s14, s5  }
0x8b: {  	s17 =	sadd.s32 $0x2000, s17;
	s5 =	sor.u32 s15, s5;
	s15 =	sadd.s32 $0x10, s1  }
0x8c: {  	s29 =	sand.u32 $0x3580000, s17;
	s11 =	sand.u32 $0x70000, s21;
	s21 =	sshll.u32 s15, $0x2  }
0x8d: {  	s11 =	sor.u32 s29, s11;
	s20 =	sand.u32 $0xC00, s21;
	s21 =	sshrl.u32 s15, $0x1  }
0x8e: {  	s5 =	sor.u32 s6, s5;
	s21 =	sand.u32 $0x40, s21;
	s20 =	sor.u32 s20, s11  }
0x8f: {  	s17 =	sadd.s32 $0x2000, s17;
	v1 =	vor.u32 s5, v0;
	s11 =	simm.s32 $0x2800;
	s29 =	sor.u32 s21, s20  }
0x90: {  	s14 =	simm.s32 $0x20000;
	s15 =	sadd.s32 $0x10, s15;
	[tilespmem:s11+$0x0] =	vst v1;
	s20 =	sor.u32 s6, s29  }
.LBB2_12:
0x91: {  	s5 =	sand.u32 $0x3580000, s17  }
0x92: {  	s21 =	sand.u32 $0x70000, s14;
	v1 =	vor.u32 s20, v0;
	s11 =	sadd.s32 $0x10, s11;
	p0 =	sne.s32 s14, $0x7F0000  }
.Ltmp5:
0x93: {  	s20 =	sshll.u32 s15, $0x2;
	s14 =	sadd.s32 $0x10000, s14;
	[tilespmem:s11+$0x0] =	vst v1;
	(pc) =	sbr.rel @p0 .LBB2_12-.Ltmp5, $4  }
0x94: {  	s29 =	sshrl.u32 s15, $0x1;
	s20 =	sand.u32 $0xC00, s20;
	s5 =	sor.u32 s5, s21  }
0x95: {  	s21 =	sand.u32 $0x40, s29;
	s5 =	sor.u32 s20, s5  }
0x96: {  	s5 =	sor.u32 s21, s5  }
0x97: {  	s15 =	sadd.s32 $0x10, s15;
	s17 =	sadd.s32 $0x2000, s17;
	s20 =	sor.u32 s6, s5  }
0x98: {  	v1 =	vor.u32 s20, v0;
	s5 =	sadd.s32 $0x10, s11;
	s11 =	simm.s32 $0x2800  }
0x99: {  	s14 =	simm.s32 $0xA800;
	s15 =	simm.s32 $0x0;
	s17 =	rddreg [dreg:$0x1a];
	[tilespmem:s5+$0x0] =	vst v1  }
0x9a: {  	[tilespmem:s14], [sflag:$0x6] =	stream.indirect.gather [hbm4b:s2+s0], $0x1, s11, s0, $0xb8;
	[tilespmem:$0x10000] =	vst v63  }
0x9b: {  	s20 =	sand.u32 $0x3680000, s17;
	s5 =	sand.u32 $0x70000, s15;
	s14 =	sshll.u32 s7, $0x2  }
0x9c: {  	s15 =	sshrl.u32 s7, $0x1;
	s5 =	sor.u32 s20, s5;
	s14 =	sand.u32 $0xC00, s14  }
0x9d: {  	s21 =	simm.s32 $0x10000;
	s15 =	sand.u32 $0x40, s15;
	s5 =	sor.u32 s14, s5  }
0x9e: {  	s17 =	sadd.s32 $0x2000, s17;
	s5 =	sor.u32 s15, s5;
	s15 =	sadd.s32 $0x10, s7  }
0x9f: {  	s29 =	sand.u32 $0x3680000, s17;
	s11 =	sand.u32 $0x70000, s21;
	s21 =	sshll.u32 s15, $0x2  }
0xa0: {  	s11 =	sor.u32 s29, s11;
	s20 =	sand.u32 $0xC00, s21;
	s21 =	sshrl.u32 s15, $0x1  }
0xa1: {  	s5 =	sor.u32 s6, s5;
	s21 =	sand.u32 $0x40, s21;
	s20 =	sor.u32 s20, s11  }
0xa2: {  	s17 =	sadd.s32 $0x2000, s17;
	v1 =	vor.u32 s5, v0;
	s11 =	simm.s32 $0x3000;
	s29 =	sor.u32 s21, s20  }
0xa3: {  	s14 =	simm.s32 $0x20000;
	s15 =	sadd.s32 $0x10, s15;
	[tilespmem:s11+$0x0] =	vst v1;
	s20 =	sor.u32 s6, s29  }
.LBB2_14:
0xa4: {  	s5 =	sand.u32 $0x3680000, s17  }
0xa5: {  	s21 =	sand.u32 $0x70000, s14;
	v1 =	vor.u32 s20, v0;
	s11 =	sadd.s32 $0x10, s11;
	p0 =	sne.s32 s14, $0x7F0000  }
.Ltmp6:
0xa6: {  	s20 =	sshll.u32 s15, $0x2;
	s14 =	sadd.s32 $0x10000, s14;
	[tilespmem:s11+$0x0] =	vst v1;
	(pc) =	sbr.rel @p0 .LBB2_14-.Ltmp6, $4  }
0xa7: {  	s29 =	sshrl.u32 s15, $0x1;
	s20 =	sand.u32 $0xC00, s20;
	s5 =	sor.u32 s5, s21  }
0xa8: {  	s21 =	sand.u32 $0x40, s29;
	s5 =	sor.u32 s20, s5  }
0xa9: {  	s5 =	sor.u32 s21, s5  }
0xaa: {  	s15 =	sadd.s32 $0x10, s15;
	s17 =	sadd.s32 $0x2000, s17;
	s20 =	sor.u32 s6, s5  }
0xab: {  	v1 =	vor.u32 s20, v0;
	s5 =	sadd.s32 $0x10, s11;
	s11 =	simm.s32 $0x3000  }
0xac: {  	s14 =	simm.s32 $0xB000;
	s15 =	simm.s32 $0x0;
	s17 =	rddreg [dreg:$0x1b];
	[tilespmem:s5+$0x0] =	vst v1  }
0xad: {  	[tilespmem:s14], [sflag:$0x7] =	stream.indirect.gather [hbm4b:s2+s0], $0x1, s11, s0, $0xb8;
	[tilespmem:$0x10000] =	vst v63  }
0xae: {  	s20 =	sand.u32 $0x3780000, s17;
	s5 =	sand.u32 $0x70000, s15;
	s14 =	sshll.u32 s10, $0x2  }
0xaf: {  	s15 =	sshrl.u32 s10, $0x1;
	s5 =	sor.u32 s20, s5;
	s14 =	sand.u32 $0xC00, s14  }
0xb0: {  	s21 =	simm.s32 $0x10000;
	s15 =	sand.u32 $0x40, s15;
	s5 =	sor.u32 s14, s5  }
0xb1: {  	s17 =	sadd.s32 $0x2000, s17;
	s5 =	sor.u32 s15, s5;
	s15 =	sadd.s32 $0x10, s10  }
0xb2: {  	s29 =	sand.u32 $0x3780000, s17;
	s11 =	sand.u32 $0x70000, s21;
	s21 =	sshll.u32 s15, $0x2  }
0xb3: {  	s11 =	sor.u32 s29, s11;
	s20 =	sand.u32 $0xC00, s21;
	s21 =	sshrl.u32 s15, $0x1  }
0xb4: {  	s5 =	sor.u32 s6, s5;
	s21 =	sand.u32 $0x40, s21;
	s20 =	sor.u32 s20, s11  }
0xb5: {  	s17 =	sadd.s32 $0x2000, s17;
	v1 =	vor.u32 s5, v0;
	s11 =	simm.s32 $0x3800;
	s29 =	sor.u32 s21, s20  }
0xb6: {  	s14 =	simm.s32 $0x20000;
	s15 =	sadd.s32 $0x10, s15;
	[tilespmem:s11+$0x0] =	vst v1;
	s20 =	sor.u32 s6, s29  }
.LBB2_16:
0xb7: {  	s5 =	sand.u32 $0x3780000, s17  }
0xb8: {  	s21 =	sand.u32 $0x70000, s14;
	v1 =	vor.u32 s20, v0;
	s11 =	sadd.s32 $0x10, s11;
	p0 =	sne.s32 s14, $0x7F0000  }
.Ltmp7:
0xb9: {  	s20 =	sshll.u32 s15, $0x2;
	s14 =	sadd.s32 $0x10000, s14;
	[tilespmem:s11+$0x0] =	vst v1;
	(pc) =	sbr.rel @p0 .LBB2_16-.Ltmp7, $4  }
0xba: {  	s29 =	sshrl.u32 s15, $0x1;
	s20 =	sand.u32 $0xC00, s20;
	s5 =	sor.u32 s5, s21  }
0xbb: {  	s21 =	sand.u32 $0x40, s29;
	s5 =	sor.u32 s20, s5  }
0xbc: {  	s5 =	sor.u32 s21, s5  }
0xbd: {  	s15 =	sadd.s32 $0x10, s15;
	s17 =	sadd.s32 $0x2000, s17;
	s20 =	sor.u32 s6, s5  }
0xbe: {  	v1 =	vor.u32 s20, v0;
	s5 =	sadd.s32 $0x10, s11;
	s11 =	simm.s32 $0x3800  }
0xbf: {  	s14 =	simm.s32 $0xB800;
	s15 =	simm.s32 $0x0;
	s17 =	rddreg [dreg:$0x1c];
	[tilespmem:s5+$0x0] =	vst v1  }
0xc0: {  	[tilespmem:s14], [sflag:$0x8] =	stream.indirect.gather [hbm4b:s2+s0], $0x1, s11, s0, $0xb8;
	[tilespmem:$0x10000] =	vst v63  }
0xc1: {  	s20 =	sand.u32 $0x3880000, s17;
	s5 =	sand.u32 $0x70000, s15;
	s14 =	sshll.u32 s12, $0x2  }
0xc2: {  	s15 =	sshrl.u32 s12, $0x1;
	s5 =	sor.u32 s20, s5;
	s14 =	sand.u32 $0xC00, s14  }
0xc3: {  	s21 =	simm.s32 $0x10000;
	s15 =	sand.u32 $0x40, s15;
	s5 =	sor.u32 s14, s5  }
0xc4: {  	s17 =	sadd.s32 $0x2000, s17;
	s5 =	sor.u32 s15, s5;
	s15 =	sadd.s32 $0x10, s12  }
0xc5: {  	s29 =	sand.u32 $0x3880000, s17;
	s11 =	sand.u32 $0x70000, s21;
	s21 =	sshll.u32 s15, $0x2  }
0xc6: {  	s11 =	sor.u32 s29, s11;
	s20 =	sand.u32 $0xC00, s21;
	s21 =	sshrl.u32 s15, $0x1  }
0xc7: {  	s5 =	sor.u32 s6, s5;
	s21 =	sand.u32 $0x40, s21;
	s20 =	sor.u32 s20, s11  }
0xc8: {  	s17 =	sadd.s32 $0x2000, s17;
	v1 =	vor.u32 s5, v0;
	s11 =	simm.s32 $0x4000;
	s29 =	sor.u32 s21, s20  }
0xc9: {  	s14 =	simm.s32 $0x20000;
	s15 =	sadd.s32 $0x10, s15;
	[tilespmem:s11+$0x0] =	vst v1;
	s20 =	sor.u32 s6, s29  }
.LBB2_18:
0xca: {  	s5 =	sand.u32 $0x3880000, s17  }
0xcb: {  	s21 =	sand.u32 $0x70000, s14;
	v1 =	vor.u32 s20, v0;
	s11 =	sadd.s32 $0x10, s11;
	p0 =	sne.s32 s14, $0x7F0000  }
.Ltmp8:
0xcc: {  	s20 =	sshll.u32 s15, $0x2;
	s14 =	sadd.s32 $0x10000, s14;
	[tilespmem:s11+$0x0] =	vst v1;
	(pc) =	sbr.rel @p0 .LBB2_18-.Ltmp8, $4  }
0xcd: {  	s29 =	sshrl.u32 s15, $0x1;
	s20 =	sand.u32 $0xC00, s20;
	s5 =	sor.u32 s5, s21  }
0xce: {  	s21 =	sand.u32 $0x40, s29;
	s5 =	sor.u32 s20, s5  }
0xcf: {  	s5 =	sor.u32 s21, s5  }
0xd0: {  	s15 =	sadd.s32 $0x10, s15;
	s17 =	sadd.s32 $0x2000, s17;
	s20 =	sor.u32 s6, s5  }
0xd1: {  	v1 =	vor.u32 s20, v0;
	s5 =	sadd.s32 $0x10, s11;
	s11 =	simm.s32 $0x4000  }
0xd2: {  	s14 =	simm.s32 $0xC000;
	s15 =	simm.s32 $0x0;
	s17 =	rddreg [dreg:$0x1d];
	[tilespmem:s5+$0x0] =	vst v1  }
0xd3: {  	[tilespmem:s14], [sflag:$0x9] =	stream.indirect.gather [hbm4b:s2+s0], $0x1, s11, s0, $0xb8;
	[tilespmem:$0x10000] =	vst v63  }
0xd4: {  	s20 =	sand.u32 $0x3980000, s17;
	s5 =	sand.u32 $0x70000, s15;
	s14 =	sshll.u32 s13, $0x2  }
0xd5: {  	s15 =	sshrl.u32 s13, $0x1;
	s5 =	sor.u32 s20, s5;
	s14 =	sand.u32 $0xC00, s14  }
0xd6: {  	s21 =	simm.s32 $0x10000;
	s15 =	sand.u32 $0x40, s15;
	s5 =	sor.u32 s14, s5  }
0xd7: {  	s17 =	sadd.s32 $0x2000, s17;
	s5 =	sor.u32 s15, s5;
	s15 =	sadd.s32 $0x10, s13  }
0xd8: {  	s29 =	sand.u32 $0x3980000, s17;
	s11 =	sand.u32 $0x70000, s21;
	s21 =	sshll.u32 s15, $0x2  }
0xd9: {  	s11 =	sor.u32 s29, s11;
	s20 =	sand.u32 $0xC00, s21;
	s21 =	sshrl.u32 s15, $0x1  }
0xda: {  	s5 =	sor.u32 s6, s5;
	s21 =	sand.u32 $0x40, s21;
	s20 =	sor.u32 s20, s11  }
0xdb: {  	s17 =	sadd.s32 $0x2000, s17;
	v1 =	vor.u32 s5, v0;
	s11 =	simm.s32 $0x4800;
	s29 =	sor.u32 s21, s20  }
0xdc: {  	s14 =	simm.s32 $0x20000;
	s15 =	sadd.s32 $0x10, s15;
	[tilespmem:s11+$0x0] =	vst v1;
	s20 =	sor.u32 s6, s29  }
.LBB2_20:
0xdd: {  	s5 =	sand.u32 $0x3980000, s17  }
0xde: {  	s21 =	sand.u32 $0x70000, s14;
	v1 =	vor.u32 s20, v0;
	s11 =	sadd.s32 $0x10, s11;
	p0 =	sne.s32 s14, $0x7F0000  }
.Ltmp9:
0xdf: {  	s20 =	sshll.u32 s15, $0x2;
	s14 =	sadd.s32 $0x10000, s14;
	[tilespmem:s11+$0x0] =	vst v1;
	(pc) =	sbr.rel @p0 .LBB2_20-.Ltmp9, $4  }
0xe0: {  	s29 =	sshrl.u32 s15, $0x1;
	s20 =	sand.u32 $0xC00, s20;
	s5 =	sor.u32 s5, s21  }
0xe1: {  	s21 =	sand.u32 $0x40, s29;
	s5 =	sor.u32 s20, s5  }
0xe2: {  	s5 =	sor.u32 s21, s5  }
0xe3: {  	s15 =	sadd.s32 $0x10, s15;
	s17 =	sadd.s32 $0x2000, s17;
	s20 =	sor.u32 s6, s5  }
0xe4: {  	v1 =	vor.u32 s20, v0;
	s5 =	sadd.s32 $0x10, s11;
	s11 =	simm.s32 $0x4800  }
0xe5: {  	s14 =	simm.s32 $0xC800;
	s15 =	simm.s32 $0x0;
	s17 =	rddreg [dreg:$0x1e];
	[tilespmem:s5+$0x0] =	vst v1  }
0xe6: {  	[tilespmem:s14], [sflag:$0xA] =	stream.indirect.gather [hbm4b:s2+s0], $0x1, s11, s0, $0xb8;
	[tilespmem:$0x10000] =	vst v63  }
0xe7: {  	s20 =	sand.u32 $0x3A80000, s17;
	s5 =	sand.u32 $0x70000, s15;
	s14 =	sshll.u32 s16, $0x2  }
0xe8: {  	s15 =	sshrl.u32 s16, $0x1;
	s5 =	sor.u32 s20, s5;
	s14 =	sand.u32 $0xC00, s14  }
0xe9: {  	s21 =	simm.s32 $0x10000;
	s15 =	sand.u32 $0x40, s15;
	s5 =	sor.u32 s14, s5  }
0xea: {  	s17 =	sadd.s32 $0x2000, s17;
	s5 =	sor.u32 s15, s5;
	s15 =	sadd.s32 $0x10, s16  }
0xeb: {  	s29 =	sand.u32 $0x3A80000, s17;
	s11 =	sand.u32 $0x70000, s21;
	s21 =	sshll.u32 s15, $0x2  }
0xec: {  	s11 =	sor.u32 s29, s11;
	s20 =	sand.u32 $0xC00, s21;
	s21 =	sshrl.u32 s15, $0x1  }
0xed: {  	s5 =	sor.u32 s6, s5;
	s21 =	sand.u32 $0x40, s21;
	s20 =	sor.u32 s20, s11  }
0xee: {  	s17 =	sadd.s32 $0x2000, s17;
	v1 =	vor.u32 s5, v0;
	s11 =	simm.s32 $0x5000;
	s29 =	sor.u32 s21, s20  }
0xef: {  	s14 =	simm.s32 $0x20000;
	s15 =	sadd.s32 $0x10, s15;
	[tilespmem:s11+$0x0] =	vst v1;
	s20 =	sor.u32 s6, s29  }
.LBB2_22:
0xf0: {  	s5 =	sand.u32 $0x3A80000, s17  }
0xf1: {  	s21 =	sand.u32 $0x70000, s14;
	v1 =	vor.u32 s20, v0;
	s11 =	sadd.s32 $0x10, s11;
	p0 =	sne.s32 s14, $0x7F0000  }
.Ltmp10:
0xf2: {  	s20 =	sshll.u32 s15, $0x2;
	s14 =	sadd.s32 $0x10000, s14;
	[tilespmem:s11+$0x0] =	vst v1;
	(pc) =	sbr.rel @p0 .LBB2_22-.Ltmp10, $4  }
0xf3: {  	s29 =	sshrl.u32 s15, $0x1;
	s20 =	sand.u32 $0xC00, s20;
	s5 =	sor.u32 s5, s21  }
0xf4: {  	s21 =	sand.u32 $0x40, s29;
	s5 =	sor.u32 s20, s5  }
0xf5: {  	s5 =	sor.u32 s21, s5  }
0xf6: {  	s15 =	sadd.s32 $0x10, s15;
	s17 =	sadd.s32 $0x2000, s17;
	s20 =	sor.u32 s6, s5  }
0xf7: {  	v1 =	vor.u32 s20, v0;
	s5 =	sadd.s32 $0x10, s11;
	s11 =	simm.s32 $0x5000  }
0xf8: {  	s14 =	simm.s32 $0xD000;
	s15 =	simm.s32 $0x0;
	s17 =	rddreg [dreg:$0x1f];
	[tilespmem:s5+$0x0] =	vst v1  }
0xf9: {  	[tilespmem:s14], [sflag:$0xB] =	stream.indirect.gather [hbm4b:s2+s0], $0x1, s11, s0, $0xb8;
	[tilespmem:$0x10000] =	vst v63  }
0xfa: {  	s20 =	sand.u32 $0x3B80000, s17;
	s5 =	sand.u32 $0x70000, s15;
	s14 =	sshll.u32 s18, $0x2  }
0xfb: {  	s15 =	sshrl.u32 s18, $0x1;
	s5 =	sor.u32 s20, s5;
	s14 =	sand.u32 $0xC00, s14  }
0xfc: {  	s21 =	simm.s32 $0x10000;
	s15 =	sand.u32 $0x40, s15;
	s5 =	sor.u32 s14, s5  }
0xfd: {  	s17 =	sadd.s32 $0x2000, s17;
	s5 =	sor.u32 s15, s5;
	s15 =	sadd.s32 $0x10, s18  }
0xfe: {  	s29 =	sand.u32 $0x3B80000, s17;
	s11 =	sand.u32 $0x70000, s21;
	s21 =	sshll.u32 s15, $0x2  }
0xff: {  	s11 =	sor.u32 s29, s11;
	s20 =	sand.u32 $0xC00, s21;
	s21 =	sshrl.u32 s15, $0x1  }
0x100: {  	s5 =	sor.u32 s6, s5;
	s21 =	sand.u32 $0x40, s21;
	s20 =	sor.u32 s20, s11  }
0x101: {  	s17 =	sadd.s32 $0x2000, s17;
	v1 =	vor.u32 s5, v0;
	s11 =	simm.s32 $0x5800;
	s29 =	sor.u32 s21, s20  }
0x102: {  	s14 =	simm.s32 $0x20000;
	s15 =	sadd.s32 $0x10, s15;
	[tilespmem:s11+$0x0] =	vst v1;
	s20 =	sor.u32 s6, s29  }
.LBB2_24:
0x103: {  	s5 =	sand.u32 $0x3B80000, s17  }
0x104: {  	s21 =	sand.u32 $0x70000, s14;
	v1 =	vor.u32 s20, v0;
	s11 =	sadd.s32 $0x10, s11;
	p0 =	sne.s32 s14, $0x7F0000  }
.Ltmp11:
0x105: {  	s20 =	sshll.u32 s15, $0x2;
	s14 =	sadd.s32 $0x10000, s14;
	[tilespmem:s11+$0x0] =	vst v1;
	(pc) =	sbr.rel @p0 .LBB2_24-.Ltmp11, $4  }
0x106: {  	s29 =	sshrl.u32 s15, $0x1;
	s20 =	sand.u32 $0xC00, s20;
	s5 =	sor.u32 s5, s21  }
0x107: {  	s21 =	sand.u32 $0x40, s29;
	s5 =	sor.u32 s20, s5  }
0x108: {  	s5 =	sor.u32 s21, s5  }
0x109: {  	s15 =	sadd.s32 $0x10, s15;
	s17 =	sadd.s32 $0x2000, s17;
	s20 =	sor.u32 s6, s5  }
0x10a: {  	v1 =	vor.u32 s20, v0;
	s5 =	sadd.s32 $0x10, s11;
	s17 =	sld [smem:$0x7FB]  }
0x10b: {  	s11 =	simm.s32 $0x5800;
	s14 =	simm.s32 $0xD800;
	s15 =	simm.s32 $0x0;
	[tilespmem:s5+$0x0] =	vst v1  }
0x10c: {  	[tilespmem:s14], [sflag:$0xC] =	stream.indirect.gather [hbm4b:s2+s0], $0x1, s11, s0, $0xb8;
	[tilespmem:$0x10000] =	vst v63  }
0x10d: {  	s5 =	sand.u32 $0x70000, s15;
	s14 =	sshll.u32 s19, $0x2;
	s20 =	sand.u32 $0x3C80000, s17  }
0x10e: {  	s15 =	sshrl.u32 s19, $0x1;
	s14 =	sand.u32 $0xC00, s14;
	s5 =	sor.u32 s20, s5  }
0x10f: {  	s21 =	simm.s32 $0x10000;
	s15 =	sand.u32 $0x40, s15;
	s5 =	sor.u32 s14, s5  }
0x110: {  	s17 =	sadd.s32 $0x2000, s17;
	s5 =	sor.u32 s15, s5;
	s15 =	sadd.s32 $0x10, s19  }
0x111: {  	s11 =	sand.u32 $0x70000, s21;
	s29 =	sand.u32 $0x3C80000, s17;
	s21 =	sshll.u32 s15, $0x2  }
0x112: {  	s11 =	sor.u32 s29, s11;
	s20 =	sand.u32 $0xC00, s21;
	s21 =	sshrl.u32 s15, $0x1  }
0x113: {  	s5 =	sor.u32 s6, s5;
	s21 =	sand.u32 $0x40, s21;
	s20 =	sor.u32 s20, s11  }
0x114: {  	s17 =	sadd.s32 $0x2000, s17;
	v1 =	vor.u32 s5, v0;
	s11 =	simm.s32 $0x6000;
	s29 =	sor.u32 s21, s20  }
0x115: {  	s14 =	simm.s32 $0x20000;
	s15 =	sadd.s32 $0x10, s15;
	[tilespmem:s11+$0x0] =	vst v1;
	s20 =	sor.u32 s6, s29  }
.LBB2_26:
0x116: {  	s5 =	sand.u32 $0x3C80000, s17  }
0x117: {  	s21 =	sand.u32 $0x70000, s14;
	v1 =	vor.u32 s20, v0;
	s11 =	sadd.s32 $0x10, s11;
	p0 =	sne.s32 s14, $0x7F0000  }
.Ltmp12:
0x118: {  	s20 =	sshll.u32 s15, $0x2;
	s14 =	sadd.s32 $0x10000, s14;
	[tilespmem:s11+$0x0] =	vst v1;
	(pc) =	sbr.rel @p0 .LBB2_26-.Ltmp12, $4  }
0x119: {  	s29 =	sshrl.u32 s15, $0x1;
	s20 =	sand.u32 $0xC00, s20;
	s5 =	sor.u32 s5, s21  }
0x11a: {  	s21 =	sand.u32 $0x40, s29;
	s5 =	sor.u32 s20, s5  }
0x11b: {  	s5 =	sor.u32 s21, s5  }
0x11c: {  	s15 =	sadd.s32 $0x10, s15;
	s17 =	sadd.s32 $0x2000, s17;
	s20 =	sor.u32 s6, s5  }
0x11d: {  	v1 =	vor.u32 s20, v0;
	s5 =	sadd.s32 $0x10, s11;
	s17 =	sld [smem:$0x7FC]  }
0x11e: {  	s11 =	simm.s32 $0x6000;
	s14 =	simm.s32 $0xE000;
	s15 =	simm.s32 $0x0;
	[tilespmem:s5+$0x0] =	vst v1  }
0x11f: {  	[tilespmem:s14], [sflag:$0xD] =	stream.indirect.gather [hbm4b:s2+s0], $0x1, s11, s0, $0xb8;
	[tilespmem:$0x10000] =	vst v63  }
0x120: {  	s5 =	sand.u32 $0x70000, s15;
	s14 =	sshll.u32 s22, $0x2;
	s20 =	sand.u32 $0x3D80000, s17  }
0x121: {  	s15 =	sshrl.u32 s22, $0x1;
	s14 =	sand.u32 $0xC00, s14;
	s5 =	sor.u32 s20, s5  }
0x122: {  	s21 =	simm.s32 $0x10000;
	s15 =	sand.u32 $0x40, s15;
	s5 =	sor.u32 s14, s5  }
0x123: {  	s17 =	sadd.s32 $0x2000, s17;
	s5 =	sor.u32 s15, s5;
	s15 =	sadd.s32 $0x10, s22  }
0x124: {  	s11 =	sand.u32 $0x70000, s21;
	s29 =	sand.u32 $0x3D80000, s17;
	s21 =	sshll.u32 s15, $0x2  }
0x125: {  	s11 =	sor.u32 s29, s11;
	s20 =	sand.u32 $0xC00, s21;
	s21 =	sshrl.u32 s15, $0x1  }
0x126: {  	s5 =	sor.u32 s6, s5;
	s21 =	sand.u32 $0x40, s21;
	s20 =	sor.u32 s20, s11  }
0x127: {  	s17 =	sadd.s32 $0x2000, s17;
	v1 =	vor.u32 s5, v0;
	s11 =	simm.s32 $0x6800;
	s29 =	sor.u32 s21, s20  }
0x128: {  	s14 =	simm.s32 $0x20000;
	s15 =	sadd.s32 $0x10, s15;
	[tilespmem:s11+$0x0] =	vst v1;
	s20 =	sor.u32 s6, s29  }
.LBB2_28:
0x129: {  	s5 =	sand.u32 $0x3D80000, s17  }
0x12a: {  	s21 =	sand.u32 $0x70000, s14;
	v1 =	vor.u32 s20, v0;
	s11 =	sadd.s32 $0x10, s11;
	p0 =	sne.s32 s14, $0x7F0000  }
.Ltmp13:
0x12b: {  	s20 =	sshll.u32 s15, $0x2;
	s14 =	sadd.s32 $0x10000, s14;
	[tilespmem:s11+$0x0] =	vst v1;
	(pc) =	sbr.rel @p0 .LBB2_28-.Ltmp13, $4  }
0x12c: {  	s29 =	sshrl.u32 s15, $0x1;
	s20 =	sand.u32 $0xC00, s20;
	s5 =	sor.u32 s5, s21  }
0x12d: {  	s21 =	sand.u32 $0x40, s29;
	s5 =	sor.u32 s20, s5  }
0x12e: {  	s5 =	sor.u32 s21, s5  }
0x12f: {  	s15 =	sadd.s32 $0x10, s15;
	s17 =	sadd.s32 $0x2000, s17;
	s20 =	sor.u32 s6, s5  }
0x130: {  	v1 =	vor.u32 s20, v0;
	s5 =	sadd.s32 $0x10, s11;
	s17 =	sld [smem:$0x7FD]  }
0x131: {  	s11 =	simm.s32 $0x6800;
	s14 =	simm.s32 $0xE800;
	s15 =	simm.s32 $0x0;
	[tilespmem:s5+$0x0] =	vst v1  }
0x132: {  	[tilespmem:s14], [sflag:$0xE] =	stream.indirect.gather [hbm4b:s2+s0], $0x1, s11, s0, $0xb8;
	[tilespmem:$0x10000] =	vst v63  }
0x133: {  	s5 =	sand.u32 $0x70000, s15;
	s14 =	sshll.u32 s23, $0x2;
	s20 =	sand.u32 $0x3E80000, s17  }
0x134: {  	s15 =	sshrl.u32 s23, $0x1;
	s14 =	sand.u32 $0xC00, s14;
	s5 =	sor.u32 s20, s5  }
0x135: {  	s21 =	simm.s32 $0x10000;
	s15 =	sand.u32 $0x40, s15;
	s5 =	sor.u32 s14, s5  }
0x136: {  	s17 =	sadd.s32 $0x2000, s17;
	s5 =	sor.u32 s15, s5;
	s15 =	sadd.s32 $0x10, s23  }
0x137: {  	s11 =	sand.u32 $0x70000, s21;
	s29 =	sand.u32 $0x3E80000, s17;
	s21 =	sshll.u32 s15, $0x2  }
0x138: {  	s11 =	sor.u32 s29, s11;
	s20 =	sand.u32 $0xC00, s21;
	s21 =	sshrl.u32 s15, $0x1  }
0x139: {  	s5 =	sor.u32 s6, s5;
	s21 =	sand.u32 $0x40, s21;
	s20 =	sor.u32 s20, s11  }
0x13a: {  	s17 =	sadd.s32 $0x2000, s17;
	v1 =	vor.u32 s5, v0;
	s11 =	simm.s32 $0x7000;
	s29 =	sor.u32 s21, s20  }
0x13b: {  	s14 =	simm.s32 $0x20000;
	s15 =	sadd.s32 $0x10, s15;
	[tilespmem:s11+$0x0] =	vst v1;
	s20 =	sor.u32 s6, s29  }
.LBB2_30:
0x13c: {  	s5 =	sand.u32 $0x3E80000, s17  }
0x13d: {  	s21 =	sand.u32 $0x70000, s14;
	v1 =	vor.u32 s20, v0;
	s11 =	sadd.s32 $0x10, s11;
	p0 =	sne.s32 s14, $0x7F0000  }
.Ltmp14:
0x13e: {  	s20 =	sshll.u32 s15, $0x2;
	s14 =	sadd.s32 $0x10000, s14;
	[tilespmem:s11+$0x0] =	vst v1;
	(pc) =	sbr.rel @p0 .LBB2_30-.Ltmp14, $4  }
0x13f: {  	s29 =	sshrl.u32 s15, $0x1;
	s20 =	sand.u32 $0xC00, s20;
	s5 =	sor.u32 s5, s21  }
0x140: {  	s21 =	sand.u32 $0x40, s29;
	s5 =	sor.u32 s20, s5  }
0x141: {  	s5 =	sor.u32 s21, s5  }
0x142: {  	s15 =	sadd.s32 $0x10, s15;
	s17 =	sadd.s32 $0x2000, s17;
	s20 =	sor.u32 s6, s5  }
0x143: {  	v1 =	vor.u32 s20, v0;
	s5 =	sadd.s32 $0x10, s11  }
0x144: {  	s14 =	simm.s32 $0x7000;
	s15 =	simm.s32 $0xF000;
	s17 =	simm.s32 $0x0;
	[tilespmem:s5+$0x0] =	vst v1  }
0x145: {  	[tilespmem:s15], [sflag:$0xF] =	stream.indirect.gather [hbm4b:s2+s0], $0x1, s14, s0, $0xb8;
	[tilespmem:$0x10000] =	vst v63  }
0x146: {  	s20 =	sand.u32 $0x3F80000, s30;
	s5 =	sand.u32 $0x70000, s17;
	s14 =	sshll.u32 s25, $0x2  }
0x147: {  	s15 =	sshrl.u32 s25, $0x1;
	s5 =	sor.u32 s20, s5;
	s14 =	sand.u32 $0xC00, s14  }
0x148: {  	s21 =	simm.s32 $0x10000;
	s15 =	sand.u32 $0x40, s15;
	s5 =	sor.u32 s14, s5  }
0x149: {  	s17 =	sadd.s32 $0x2000, s30;
	s5 =	sor.u32 s15, s5;
	s15 =	sadd.s32 $0x10, s25  }
0x14a: {  	s11 =	sand.u32 $0x70000, s21;
	s29 =	sand.u32 $0x3F80000, s17;
	s21 =	sshll.u32 s15, $0x2  }
0x14b: {  	s11 =	sor.u32 s29, s11;
	s20 =	sand.u32 $0xC00, s21;
	s21 =	sshrl.u32 s15, $0x1  }
0x14c: {  	s5 =	sor.u32 s6, s5;
	s21 =	sand.u32 $0x40, s21;
	s20 =	sor.u32 s20, s11  }
0x14d: {  	s17 =	sadd.s32 $0x2000, s17;
	v1 =	vor.u32 s5, v0;
	s11 =	simm.s32 $0x7800;
	s29 =	sor.u32 s21, s20  }
0x14e: {  	s14 =	simm.s32 $0x20000;
	s15 =	sadd.s32 $0x10, s15;
	[tilespmem:s11+$0x0] =	vst v1;
	s20 =	sor.u32 s6, s29  }
.LBB2_32:
0x14f: {  	s5 =	sand.u32 $0x3F80000, s17  }
0x150: {  	s21 =	sand.u32 $0x70000, s14;
	v1 =	vor.u32 s20, v0;
	s11 =	sadd.s32 $0x10, s11;
	p0 =	sne.s32 s14, $0x7F0000  }
.Ltmp15:
0x151: {  	s20 =	sshll.u32 s15, $0x2;
	s14 =	sadd.s32 $0x10000, s14;
	[tilespmem:s11+$0x0] =	vst v1;
	(pc) =	sbr.rel @p0 .LBB2_32-.Ltmp15, $4  }
0x152: {  	s29 =	sshrl.u32 s15, $0x1;
	s20 =	sand.u32 $0xC00, s20;
	s5 =	sor.u32 s5, s21  }
0x153: {  	s21 =	sand.u32 $0x40, s29;
	s5 =	sor.u32 s20, s5  }
0x154: {  	s5 =	sor.u32 s21, s5  }
0x155: {  	s15 =	sadd.s32 $0x10, s15;
	s17 =	sadd.s32 $0x2000, s17;
	s20 =	sor.u32 s6, s5  }
0x156: {  	v1 =	vor.u32 s20, v0;
	s5 =	sadd.s32 $0x10, s11  }
0x157: {  	s29 =	simm.s32 $0x7800;
	s14 =	simm.s32 $0xF800;
	s11 =	simm.s32 $0x1;
	[tilespmem:s5+$0x0] =	vst v1  }
0x158: {  	[tilespmem:s14], [sflag:$0x10] =	stream.indirect.gather [hbm4b:s2+s0], $0x1, s29, s0, $0xb8;
	[tilespmem:$0x10000] =	vst v63  }
0x159: {  	_ =	swait.ge [sflag:s11], $0x800  }
0x15a: {  	s17 =	simm.s32 $0x8000;
	[sflag:s11] =	ssyncset.done $0x0  }
0x15b: {  	s20 =	simm.s32 $0x2;
	s15 =	rddreg [dreg:$0x3];
	[sflag:s11] =	ssyncadd.s32 $0xFFFFF800  }
0x15c: {  	[hbm4b:s15+s3] =	stream.linear.scatter [tilespmem:s17], [sflag:$0x11], $0x800, $0x38;
	[tilespmem:$0x10000] =	vst v63  }
0x15d: {  	_ =	swait.ge [sflag:s20], $0x800  }
0x15e: {  	s29 =	simm.s32 $0x8800;
	[sflag:s20] =	ssyncset.done $0x0  }
0x15f: {  	s11 =	simm.s32 $0x3;
	s21 =	rddreg [dreg:$0x4];
	[sflag:s20] =	ssyncadd.s32 $0xFFFFF800  }
0x160: {  	[hbm4b:s21+s3] =	stream.linear.scatter [tilespmem:s29], [sflag:$0x11], $0x800, $0x38;
	[tilespmem:$0x10000] =	vst v63  }
0x161: {  	_ =	swait.ge [sflag:s11], $0x800  }
0x162: {  	s17 =	simm.s32 $0x9000;
	[sflag:s11] =	ssyncset.done $0x0  }
0x163: {  	s20 =	simm.s32 $0x4;
	s15 =	rddreg [dreg:$0x5];
	[sflag:s11] =	ssyncadd.s32 $0xFFFFF800  }
0x164: {  	[hbm4b:s15+s3] =	stream.linear.scatter [tilespmem:s17], [sflag:$0x11], $0x800, $0x38;
	[tilespmem:$0x10000] =	vst v63  }
0x165: {  	_ =	swait.ge [sflag:s20], $0x800  }
0x166: {  	s29 =	simm.s32 $0x9800;
	[sflag:s20] =	ssyncset.done $0x0  }
0x167: {  	s11 =	simm.s32 $0x5;
	s21 =	rddreg [dreg:$0x6];
	[sflag:s20] =	ssyncadd.s32 $0xFFFFF800  }
0x168: {  	[hbm4b:s21+s3] =	stream.linear.scatter [tilespmem:s29], [sflag:$0x11], $0x800, $0x38;
	[tilespmem:$0x10000] =	vst v63  }
0x169: {  	_ =	swait.ge [sflag:s11], $0x800  }
0x16a: {  	s17 =	simm.s32 $0xA000;
	[sflag:s11] =	ssyncset.done $0x0  }
0x16b: {  	s20 =	simm.s32 $0x6;
	s15 =	rddreg [dreg:$0x7];
	[sflag:s11] =	ssyncadd.s32 $0xFFFFF800  }
0x16c: {  	[hbm4b:s15+s3] =	stream.linear.scatter [tilespmem:s17], [sflag:$0x11], $0x800, $0x38;
	[tilespmem:$0x10000] =	vst v63  }
0x16d: {  	_ =	swait.ge [sflag:s20], $0x800  }
0x16e: {  	s29 =	simm.s32 $0xA800;
	[sflag:s20] =	ssyncset.done $0x0  }
0x16f: {  	s11 =	simm.s32 $0x7;
	s21 =	rddreg [dreg:$0x8];
	[sflag:s20] =	ssyncadd.s32 $0xFFFFF800  }
0x170: {  	[hbm4b:s21+s3] =	stream.linear.scatter [tilespmem:s29], [sflag:$0x11], $0x800, $0x38;
	[tilespmem:$0x10000] =	vst v63  }
0x171: {  	_ =	swait.ge [sflag:s11], $0x800  }
0x172: {  	s17 =	simm.s32 $0xB000;
	[sflag:s11] =	ssyncset.done $0x0  }
0x173: {  	s20 =	simm.s32 $0x8;
	s15 =	rddreg [dreg:$0x9];
	[sflag:s11] =	ssyncadd.s32 $0xFFFFF800  }
0x174: {  	[hbm4b:s15+s3] =	stream.linear.scatter [tilespmem:s17], [sflag:$0x11], $0x800, $0x38;
	[tilespmem:$0x10000] =	vst v63  }
0x175: {  	_ =	swait.ge [sflag:s20], $0x800  }
0x176: {  	s29 =	simm.s32 $0xB800;
	[sflag:s20] =	ssyncset.done $0x0  }
0x177: {  	s11 =	simm.s32 $0x9;
	s21 =	rddreg [dreg:$0xa];
	[sflag:s20] =	ssyncadd.s32 $0xFFFFF800  }
0x178: {  	[hbm4b:s21+s3] =	stream.linear.scatter [tilespmem:s29], [sflag:$0x11], $0x800, $0x38;
	[tilespmem:$0x10000] =	vst v63  }
0x179: {  	_ =	swait.ge [sflag:s11], $0x800  }
0x17a: {  	s17 =	simm.s32 $0xC000;
	[sflag:s11] =	ssyncset.done $0x0  }
0x17b: {  	s20 =	simm.s32 $0xA;
	s15 =	rddreg [dreg:$0xb];
	[sflag:s11] =	ssyncadd.s32 $0xFFFFF800  }
0x17c: {  	[hbm4b:s15+s3] =	stream.linear.scatter [tilespmem:s17], [sflag:$0x11], $0x800, $0x38;
	[tilespmem:$0x10000] =	vst v63  }
0x17d: {  	_ =	swait.ge [sflag:s20], $0x800  }
0x17e: {  	s29 =	simm.s32 $0xC800;
	[sflag:s20] =	ssyncset.done $0x0  }
0x17f: {  	s11 =	simm.s32 $0xB;
	s21 =	rddreg [dreg:$0xc];
	[sflag:s20] =	ssyncadd.s32 $0xFFFFF800  }
0x180: {  	[hbm4b:s21+s3] =	stream.linear.scatter [tilespmem:s29], [sflag:$0x11], $0x800, $0x38;
	[tilespmem:$0x10000] =	vst v63  }
0x181: {  	_ =	swait.ge [sflag:s11], $0x800  }
0x182: {  	s17 =	simm.s32 $0xD000;
	[sflag:s11] =	ssyncset.done $0x0  }
0x183: {  	s20 =	simm.s32 $0xC;
	s15 =	rddreg [dreg:$0xd];
	[sflag:s11] =	ssyncadd.s32 $0xFFFFF800  }
0x184: {  	[hbm4b:s15+s3] =	stream.linear.scatter [tilespmem:s17], [sflag:$0x11], $0x800, $0x38;
	[tilespmem:$0x10000] =	vst v63  }
0x185: {  	_ =	swait.ge [sflag:s20], $0x800  }
0x186: {  	s29 =	simm.s32 $0xD800;
	[sflag:s20] =	ssyncset.done $0x0  }
0x187: {  	s11 =	simm.s32 $0xD;
	s21 =	rddreg [dreg:$0xe];
	[sflag:s20] =	ssyncadd.s32 $0xFFFFF800  }
0x188: {  	[hbm4b:s21+s3] =	stream.linear.scatter [tilespmem:s29], [sflag:$0x11], $0x800, $0x38;
	[tilespmem:$0x10000] =	vst v63  }
0x189: {  	_ =	swait.ge [sflag:s11], $0x800  }
0x18a: {  	s17 =	simm.s32 $0xE000;
	[sflag:s11] =	ssyncset.done $0x0  }
0x18b: {  	s20 =	simm.s32 $0xE;
	s15 =	rddreg [dreg:$0xf];
	[sflag:s11] =	ssyncadd.s32 $0xFFFFF800  }
0x18c: {  	[hbm4b:s15+s3] =	stream.linear.scatter [tilespmem:s17], [sflag:$0x11], $0x800, $0x38;
	[tilespmem:$0x10000] =	vst v63  }
0x18d: {  	_ =	swait.ge [sflag:s20], $0x800  }
0x18e: {  	s29 =	simm.s32 $0xE800;
	[sflag:s20] =	ssyncset.done $0x0  }
0x18f: {  	s11 =	simm.s32 $0xF;
	s21 =	rddreg [dreg:$0x10];
	[sflag:s20] =	ssyncadd.s32 $0xFFFFF800  }
0x190: {  	[hbm4b:s21+s3] =	stream.linear.scatter [tilespmem:s29], [sflag:$0x11], $0x800, $0x38;
	[tilespmem:$0x10000] =	vst v63  }
0x191: {  	_ =	swait.ge [sflag:s11], $0x800  }
0x192: {  	s17 =	simm.s32 $0xF000;
	[sflag:s11] =	ssyncset.done $0x0  }
0x193: {  	s20 =	simm.s32 $0x10;
	s15 =	rddreg [dreg:$0x11];
	[sflag:s11] =	ssyncadd.s32 $0xFFFFF800  }
0x194: {  	[hbm4b:s15+s3] =	stream.linear.scatter [tilespmem:s17], [sflag:$0x11], $0x800, $0x38;
	[tilespmem:$0x10000] =	vst v63  }
0x195: {  	_ =	swait.ge [sflag:s20], $0x800  }
0x196: {  	[sflag:s20] =	ssyncset.done $0x0  }
0x197: {  	s21 =	rddreg [dreg:$0x12];
	[sflag:s20] =	ssyncadd.s32 $0xFFFFF800  }
0x198: {  	[hbm4b:s21+s3] =	stream.linear.scatter [tilespmem:s14], [sflag:$0x11], $0x800, $0x38;
	[tilespmem:$0x10000] =	vst v63  }
0x199: {  	_ =	swait.ge [sflag:s8], $0x800  }
0x19a: {  	[sflag:s8] =	ssyncset.done $0x0  }
0x19b: {  	[sflag:s8] =	ssyncadd.s32 $0xFFFFF800  }
0x19c: {  	_ =	swait.ge [sflag:s8], $0x800  }
0x19d: {  	[sflag:s8] =	ssyncset.done $0x0  }
0x19e: {  	[sflag:s8] =	ssyncadd.s32 $0xFFFFF800  }
0x19f: {  	_ =	swait.ge [sflag:s8], $0x800  }
0x1a0: {  	[sflag:s8] =	ssyncset.done $0x0  }
0x1a1: {  	[sflag:s8] =	ssyncadd.s32 $0xFFFFF800  }
0x1a2: {  	_ =	swait.ge [sflag:s8], $0x800  }
0x1a3: {  	[sflag:s8] =	ssyncset.done $0x0  }
0x1a4: {  	[sflag:s8] =	ssyncadd.s32 $0xFFFFF800  }
0x1a5: {  	_ =	swait.ge [sflag:s8], $0x800  }
0x1a6: {  	[sflag:s8] =	ssyncset.done $0x0  }
0x1a7: {  	[sflag:s8] =	ssyncadd.s32 $0xFFFFF800  }
0x1a8: {  	_ =	swait.ge [sflag:s8], $0x800  }
0x1a9: {  	[sflag:s8] =	ssyncset.done $0x0  }
0x1aa: {  	[sflag:s8] =	ssyncadd.s32 $0xFFFFF800  }
0x1ab: {  	_ =	swait.ge [sflag:s8], $0x800  }
0x1ac: {  	[sflag:s8] =	ssyncset.done $0x0  }
0x1ad: {  	[sflag:s8] =	ssyncadd.s32 $0xFFFFF800  }
0x1ae: {  	_ =	swait.ge [sflag:s8], $0x800  }
0x1af: {  	[sflag:s8] =	ssyncset.done $0x0  }
0x1b0: {  	[sflag:s8] =	ssyncadd.s32 $0xFFFFF800  }
0x1b1: {  	_ =	swait.ge [sflag:s8], $0x800  }
0x1b2: {  	[sflag:s8] =	ssyncset.done $0x0  }
0x1b3: {  	[sflag:s8] =	ssyncadd.s32 $0xFFFFF800  }
0x1b4: {  	_ =	swait.ge [sflag:s8], $0x800  }
0x1b5: {  	[sflag:s8] =	ssyncset.done $0x0  }
0x1b6: {  	[sflag:s8] =	ssyncadd.s32 $0xFFFFF800  }
0x1b7: {  	_ =	swait.ge [sflag:s8], $0x800  }
0x1b8: {  	[sflag:s8] =	ssyncset.done $0x0  }
0x1b9: {  	[sflag:s8] =	ssyncadd.s32 $0xFFFFF800  }
0x1ba: {  	_ =	swait.ge [sflag:s8], $0x800  }
0x1bb: {  	[sflag:s8] =	ssyncset.done $0x0  }
0x1bc: {  	[sflag:s8] =	ssyncadd.s32 $0xFFFFF800  }
0x1bd: {  	_ =	swait.ge [sflag:s8], $0x800  }
0x1be: {  	[sflag:s8] =	ssyncset.done $0x0  }
0x1bf: {  	[sflag:s8] =	ssyncadd.s32 $0xFFFFF800  }
0x1c0: {  	_ =	swait.ge [sflag:s8], $0x800  }
0x1c1: {  	[sflag:s8] =	ssyncset.done $0x0  }
0x1c2: {  	[sflag:s8] =	ssyncadd.s32 $0xFFFFF800  }
0x1c3: {  	_ =	swait.ge [sflag:s8], $0x800  }
0x1c4: {  	[sflag:s8] =	ssyncset.done $0x0  }
0x1c5: {  	[sflag:s8] =	ssyncadd.s32 $0xFFFFF800  }
0x1c6: {  	_ =	swait.ge [sflag:s8], $0x800  }
0x1c7: {  	s9 =	sadd.s32 $0x1, s9;
	s29 =	rddreg [dreg:$0x13]  }
0x1c8: {  	p0 =	sne.s32 s9, s29  }
.Ltmp16:
0x1c9: {  	_ = 	snop;
	(pc) =	sbr.rel @p0 .LBB2_1-.Ltmp16, $3  }
0x1ca: {  	_ =	sdelay $0x1  }
0x1cb: {  	[sflag:s8] =	ssyncset.done $0x0  }
0x1cc: {  	[sflag:s8] =	ssyncadd.s32 $0xFFFFF800  }
0x1cd: {  	_ =	sfence.sel $0x180000  }
0x1ce: {  	[bflag:$0x0] =	sbarrier.arrive $0xFFFF  }
0x1cf: {  	_ =	strace $0x90000047  }
0x1d0: {  	s0 =	stileid.u32;
	[bflag:$0x2] =	sbarrier.arrive $0xFFFF  }
0x1d1: {  	p0 =	sne.s32 s0, $0x0;
	s0 =	rddreg [dreg:$0x2]  }
0x1d2: {  	s0 =	sadd.s32 @!p0 $0x100000, s0  }
0x1d3: {  	[sflag:s0] =	ssyncadd.tile.s32 @!p0 $0x1;
	_ =	shalt  }
.Lfunc_end2:
_tile_overlayer_lowered:
.L_overlay_start_2:
0x1d4: {  	(tag) =	ssettag $0x2  }
0x1d5: {  	s0 =	rddreg [dreg:$0x0];
	s2 =	stileid.u32  }
0x1d6: {  	s1 =	rddreg [dreg:$0x1];
	p0 =	sne.s32 s2, $0x0  }
0x1d7: {  	s3 =	rddreg [dreg:$0x2];
	[bflag:$0x3] =	sbarrier.arrive $0xFFFF;
	s2 =	simm.s32 @!p0 $0x1C12  }
0x1d8: {  	[timem:s3], [sflag:s2] =	dma.local @!p0 [hbm:s0], s1  }
0x1d9: {  	s0 =	simm.s32 @!p0 $0x12  }
0x1da: {  	_ =	swait.ge @!p0 [sflag:s0], s1  }
0x1db: {  	s1 =	ssub.s32 @!p0 $0x0, s1;
	[sflag:s0] =	ssyncset.done @!p0 $0x0  }
0x1dc: {  	[sflag:s0] =	ssyncadd.s32 @!p0 s1  }
0x1dd: {  	[bflag:$0x3] =	sbarrier.arrive $0xFFFF  }
0x1de: {  	_ =	shalt  }

</sc_bundles>
